<compile_context>
chip_gen: v7x
topology: tpu7x:2x2x1
jax: 0.10.2.dev20260603
libtpu: 0.0.44.dev20260713+nightly
codegen_flags: <defaults>
</compile_context>

<pallas_src>
import dataclasses
import functools

import jax
import jax.numpy as jnp
from jax import lax
from jax.experimental import pallas as pl
from jax.experimental.pallas import tpu as pltpu
from jax.experimental.pallas import tpu_sc as plsc

_NUM_LAYERS = 8
_NUM_LEVELS = 7
_D = 64
_L = 16
_BLK = 16


def _sc_rfsq(z2, btab):
    rows = z2.shape[0]
    mesh = plsc.VectorSubcoreMesh(core_axis_name="c", subcore_axis_name="s")

    out_type = (
        jax.ShapeDtypeStruct((rows, _D), jnp.float32),
        jax.ShapeDtypeStruct((rows, _D * _NUM_LAYERS), jnp.int32),
    )

    cp = pltpu.CompilerParams()
    if "needs_layout_passes" in pltpu.CompilerParams.__dataclass_fields__:
        cp = dataclasses.replace(cp, needs_layout_passes=False)

    @functools.partial(
        pl.kernel,
        out_type=out_type,
        mesh=mesh,
        compiler_params=cp,
        scratch_types=[
            pltpu.VMEM((_L,), jnp.float32),
            pltpu.VMEM((_D * _L,), jnp.float32),
        ],
    )
    def k(z_hbm, b_hbm, qsum_hbm, codes_hbm, b_v, residT):
        pltpu.sync_copy(b_hbm, b_v)

        def body(z_v, qsum_v, codes_v):
            iota = lax.iota(jnp.int32, _L)
            zero = jnp.zeros((_L,), jnp.float32)

            def tr_body(d, carry):
                s, q = carry
                col = jnp.full((_L,), d, jnp.int32)
                x = plsc.load_gather(z_v, [iota, col])
                residT[pl.ds(d * _L, _L)] = x
                return s + x, q + x * x

            s, q = lax.fori_loop(0, _D, tr_body, (zero, zero))

            for layer in range(_NUM_LAYERS):
                mean = s * (1.0 / _D)
                var = (q - s * mean) * (1.0 / (_D - 1))
                v2 = jnp.maximum(var, 1e-30)
                bits = plsc.bitcast(v2, jnp.int32)
                bits = jnp.int32(0x5F3759DF) - (bits >> 1)
                y = plsc.bitcast(bits, jnp.float32)
                y = y * (1.5 - 0.5 * v2 * y * y)
                y = y * (1.5 - 0.5 * v2 * y * y)
                sd = v2 * y
                sd = 0.5 * (sd + v2 / sd)
                std = sd + 1e-5
                c1 = 3.0 / std
                c2 = 3.5 - mean * c1

                def q_body(d, carry, layer=layer, std=std, mean=mean,
                           c1=c1, c2=c2):
                    s2, q2 = carry
                    x = residT[pl.ds(d * _L, _L)]
                    t = x * c1 + c2
                    t = jnp.minimum(jnp.maximum(t, 0.5), 6.5)
                    idx = t.astype(jnp.int32)
                    col = jnp.full((_L,), d * _NUM_LAYERS + layer, jnp.int32)
                    plsc.store_scatter(codes_v, [iota, col], idx)
                    bq = plsc.load_gather(b_v, [idx])
                    zq = bq * std + mean
                    r = x - zq
                    residT[pl.ds(d * _L, _L)] = r
                    return s2 + r, q2 + r * r

                s, q = lax.fori_loop(0, _D, q_body, (zero, zero))

            def f_body(d, carry):
                col = jnp.full((_L,), d, jnp.int32)
                xz = plsc.load_gather(z_v, [iota, col])
                r = residT[pl.ds(d * _L, _L)]
                plsc.store_scatter(qsum_v, [iota, col], xz - r)
                return carry

            lax.fori_loop(0, _D, f_body, 0)

        pltpu.emit_pipeline(
            body,
            grid=(rows // _BLK,),
            in_specs=[pl.BlockSpec((_BLK, _D), lambda i: (i, 0))],
            out_specs=[
                pl.BlockSpec((_BLK, _D), lambda i: (i, 0)),
                pl.BlockSpec((_BLK, _D * _NUM_LAYERS), lambda i: (i, 0)),
            ],
            core_axis_name=("c", "s"),
            dimension_semantics=(pltpu.PARALLEL,),
        )(z_hbm, qsum_hbm, codes_hbm)

    return k(z2, btab)


def kernel(z):
    b, s, d = z.shape
    z2 = z.reshape(b * s, d)
    bnd = jnp.linspace(-1.0, 1.0, _NUM_LEVELS).astype(jnp.float32)
    btab = jnp.concatenate([bnd, jnp.zeros((_L - _NUM_LEVELS,), jnp.float32)])
    qsum2, codes2 = _sc_rfsq(z2, btab)
    return qsum2.reshape(b, s, d), codes2.reshape(b, s, d, _NUM_LAYERS)

# --- scband reference (transcript-rebuilt; emitter-appended) ---
"""Pipeline reference for scband-robust-rfsqblock-22686017258069 (READ-ONLY COPY).

The authoritative reference and input builder live on the scoring server;
editing this copy changes nothing except your own understanding.
"""

import jax, jax.numpy as jnp
import numpy as np

NUM_LAYERS = 8
NUM_LEVELS = 7
USE_LAYERNORM = True


def setup_inputs(seed: int = 0) -> dict:
    key = jax.random.key(seed)
    z = jax.random.normal(key, (32, 1024, 64), dtype=jnp.float32)
    return {"z": z}


def _quantize(z, boundaries):
    # RobustSTEQuantizer.forward with use_layernorm=True
    original_mean = jnp.mean(z, axis=-1, keepdims=True)
    # torch.std is unbiased (ddof=1)
    original_std = jnp.std(z, axis=-1, keepdims=True, ddof=1) + 1e-05
    z_norm = (z - original_mean) / original_std
    # dist: [B, S, D, num_levels]
    dist = jnp.abs(z_norm[..., None] - boundaries)
    indices = jnp.argmin(dist, axis=-1)
    z_q_norm = boundaries[indices]
    z_q = z_q_norm * original_std + original_mean
    # straight-through estimator
    z_q_out = z + jax.lax.stop_gradient(z_q - z)
    return z_q_out, indices


def reference(z):
    boundaries = jnp.linspace(-1.0, 1.0, NUM_LEVELS).astype(jnp.float32)
    residual = z
    quantized_sum = jnp.zeros_like(z)
    all_indices = []
    for _ in range(NUM_LAYERS):
        z_q, indices = _quantize(residual, boundaries)
        quantized_sum = quantized_sum + z_q
        residual = residual - z_q
        all_indices.append(indices)
    codes = jnp.stack(all_indices, axis=-1)
    return (quantized_sum, codes)

if __name__ == "__main__":
    import jax
    _d = setup_inputs()
    print(jax.jit(kernel)(*tuple(_d.values())))

</pallas_src>

<mosaic_0001>
#map = affine_map<(d0, d1) -> (0, 0)>
#map1 = affine_map<(d0, d1) -> (0)>
module attributes {stable_mosaic.version = 14 : i64} {
  func.func @k(%arg0: i32, %arg1: i32, %arg2: memref<32768x64xf32, #tpu.memory_space<hbm>>, %arg3: memref<16xf32, #tpu.memory_space<hbm>>, %arg4: memref<32768x64xf32, #tpu.memory_space<hbm>>, %arg5: memref<32768x512xi32, #tpu.memory_space<hbm>>, %arg6: memref<16xf32, #tpu.memory_space<vmem>>, %arg7: memref<1024xf32, #tpu.memory_space<vmem>>) attributes {dimension_semantics = [#tpu.dimension_semantics<core_parallel>, #tpu.dimension_semantics<subcore_parallel>], iteration_bounds = array<i64: 2, 16>, scalar_prefetch = 0 : i64, scratch_operands = 2 : i64, tpu.core_type = #tpu.core_type<sc_vector_subcore>, window_params = [{transform_indices = #map}, {transform_indices = #map1}, {transform_indices = #map}, {transform_indices = #map}]} {
    "tpu.region"() ({
      %run_scoped3A = tpu.sem_alloc : memref<!tpu.dma_semaphore, #tpu.memory_space<semaphore_mem>>
      tpu.enqueue_dma source(%arg3 : memref<16xf32, #tpu.memory_space<hbm>>) target(%arg6 : memref<16xf32, #tpu.memory_space<vmem>>) target_semaphore(%run_scoped3A : memref<!tpu.dma_semaphore, #tpu.memory_space<semaphore_mem>>)
      tpu.wait_dma2 semaphore(%run_scoped3A : memref<!tpu.dma_semaphore, #tpu.memory_space<semaphore_mem>>) src(%arg3 : memref<16xf32, #tpu.memory_space<hbm>>) dst(%arg6 : memref<16xf32, #tpu.memory_space<vmem>>)
      tpu.yield
    }) : () -> ()
    %mul3A = arith.constant 1 : i32
    %mul3A_0 = arith.muli %arg1, %mul3A : i32
    %add3A = arith.constant 0 : i32
    %add3A_1 = arith.addi %add3A, %mul3A_0 : i32
    %mul3A_2 = arith.constant 16 : i32
    %mul3A_3 = arith.muli %arg0, %mul3A_2 : i32
    %add3A_4 = arith.addi %add3A_1, %mul3A_3 : i32
    %mul3A_5 = arith.constant 64 : i32
    %mul3A_6 = arith.muli %add3A_4, %mul3A_5 : i32
    "tpu.region"() ({
      %run_scoped3A = memref.alloca() : memref<2x16x64xf32, #tpu.memory_space<vmem>>
      %run_scoped3A_7 = tpu.sem_alloc : memref<2x!tpu.dma_semaphore, #tpu.memory_space<semaphore_mem>>
      %run_scoped3A_8 = memref.alloca() : memref<2x16x64xf32, #tpu.memory_space<vmem>>
      %run_scoped3A_9 = tpu.sem_alloc : memref<2x!tpu.dma_semaphore, #tpu.memory_space<semaphore_mem>>
      %run_scoped3A_10 = memref.alloca() : memref<2x16x512xi32, #tpu.memory_space<vmem>>
      %run_scoped3A_11 = tpu.sem_alloc : memref<2x!tpu.dma_semaphore, #tpu.memory_space<semaphore_mem>>
      %add3A_12 = arith.constant 0 : i32
      %add3A_13 = arith.addi %add3A_12, %mul3A_6 : i32
      %select_n3A = arith.constant true
      %select_n3A_14 = arith.constant 0 : i32
      %select_n3A_15 = arith.constant -1 : i32
      %select_n3A_16 = arith.select %select_n3A, %select_n3A_15, %select_n3A_14 : i32
      %eq3A = arith.constant -1 : i32
      %eq3A_17 = arith.cmpi eq, %select_n3A_16, %eq3A : i32
      %select_n3A_18 = arith.constant 63 : i32
      %select_n3A_19 = arith.select %eq3A_17, %select_n3A_18, %select_n3A_16 : i32
      %add3A_20 = arith.addi %select_n3A_19, %mul3A_6 : i32
      %select_n3A_21 = arith.constant true
      %select_n3A_22 = arith.constant 0 : i32
      %select_n3A_23 = arith.constant 1 : i32
      %select_n3A_24 = arith.select %select_n3A_21, %select_n3A_23, %select_n3A_22 : i32
      %eq3A_25 = arith.constant 64 : i32
      %eq3A_26 = arith.cmpi eq, %select_n3A_24, %eq3A_25 : i32
      %select_n3A_27 = arith.constant 0 : i32
      %select_n3A_28 = arith.select %eq3A_26, %select_n3A_27, %select_n3A_24 : i32
      %add3A_29 = arith.addi %select_n3A_28, %mul3A_6 : i32
      %add3A_30 = arith.constant 1 : i32
      %add3A_31 = arith.addi %select_n3A_28, %add3A_30 : i32
      %select_n3A_32 = arith.constant true
      %select_n3A_33 = arith.select %select_n3A_32, %add3A_31, %select_n3A_28 : i32
      %eq3A_34 = arith.constant 64 : i32
      %eq3A_35 = arith.cmpi eq, %select_n3A_33, %eq3A_34 : i32
      %select_n3A_36 = arith.constant 0 : i32
      %select_n3A_37 = arith.select %eq3A_35, %select_n3A_36, %select_n3A_33 : i32
      %add3A_38 = arith.addi %select_n3A_37, %mul3A_6 : i32
      "tpu.trace_start"() <{level = 10 : i32, message = "ep_initialize_0"}> : () -> ()
      %rem3A = arith.constant 0 : i32
      %rem3A_39 = arith.constant 2 : i32
      %rem3A_40 = arith.remui %rem3A, %rem3A_39 : i32
      %mul3A_41 = arith.constant 16 : i32
      %mul3A_42 = arith.muli %mul3A_41, %add3A_13 : i32
      %dma_start3A = arith.constant 0 : i32
      %dma_start3A_43 = arith.constant 0 : i32
      %dma_start3A_44 = tpu.memref_slice %run_scoped3A[%rem3A_40, %dma_start3A, %dma_start3A_43] : memref<2x16x64xf32, #tpu.memory_space<vmem>> -> memref<1x16x64xf32, #tpu.memory_space<vmem>>
      %dma_start3A_45 = tpu.memref_squeeze %dma_start3A_44 : memref<1x16x64xf32, #tpu.memory_space<vmem>> -> memref<16x64xf32, #tpu.memory_space<vmem>>
      %dma_start3A_46 = arith.constant 0 : i32
      %dma_start3A_47 = tpu.memref_slice %arg2[%mul3A_42, %dma_start3A_46] : memref<32768x64xf32, #tpu.memory_space<hbm>> -> memref<16x64xf32, #tpu.memory_space<hbm>>
      %dma_start3A_48 = tpu.memref_slice %run_scoped3A_7[%rem3A_40] : memref<2x!tpu.dma_semaphore, #tpu.memory_space<semaphore_mem>> -> memref<1x!tpu.dma_semaphore, #tpu.memory_space<semaphore_mem>>
      %dma_start3A_49 = tpu.memref_squeeze %dma_start3A_48 : memref<1x!tpu.dma_semaphore, #tpu.memory_space<semaphore_mem>> -> memref<!tpu.dma_semaphore, #tpu.memory_space<semaphore_mem>>
      %dma_start3A_50 = arith.constant 0 : i32
      %dma_start3A_51 = arith.constant 0 : i32
      %dma_start3A_52 = tpu.memref_slice %run_scoped3A[%rem3A_40, %dma_start3A_50, %dma_start3A_51] : memref<2x16x64xf32, #tpu.memory_space<vmem>> -> memref<1x16x64xf32, #tpu.memory_space<vmem>>
      %dma_start3A_53 = tpu.memref_squeeze %dma_start3A_52 : memref<1x16x64xf32, #tpu.memory_space<vmem>> -> memref<16x64xf32, #tpu.memory_space<vmem>>
      %dma_start3A_54 = arith.constant 0 : i32
      %dma_start3A_55 = tpu.memref_slice %arg2[%mul3A_42, %dma_start3A_54] : memref<32768x64xf32, #tpu.memory_space<hbm>> -> memref<16x64xf32, #tpu.memory_space<hbm>>
      tpu.enqueue_dma source(%dma_start3A_55 : memref<16x64xf32, #tpu.memory_space<hbm>>) target(%dma_start3A_53 : memref<16x64xf32, #tpu.memory_space<vmem>>) target_semaphore(%dma_start3A_49 : memref<!tpu.dma_semaphore, #tpu.memory_space<semaphore_mem>>)
      %add3A_56 = arith.constant 0 : i32
      %add3A_57 = arith.constant 1 : i32
      %add3A_58 = arith.addi %add3A_56, %add3A_57 : i32
      %select_n3A_59 = arith.constant true
      %select_n3A_60 = arith.constant 0 : i32
      %select_n3A_61 = arith.select %select_n3A_59, %add3A_58, %select_n3A_60 : i32
      "tpu.trace_stop"() : () -> ()
      %scan3A = arith.constant 0 : i32
      %scan3A_62 = arith.constant 0 : i32
      %scan3A_63 = arith.constant 0 : i32
      %scan3A_64 = arith.constant 0 : i32
      %scan3A_65 = arith.constant 0 : i32
      %scan3A_66 = arith.constant 0 : i32
      %scan3A_67 = arith.constant 0 : i32
      %scan3A_68 = arith.constant 64 : i32
      %scan3A_69 = arith.addi %scan3A_67, %scan3A_68 : i32
      %scan3A_70 = arith.constant 1 : i32
      %scan3A_71:7 = scf.for %scan3A_143 = %scan3A_67 to %scan3A_69 step %scan3A_70 iter_args(%scan3A_144 = %select_n3A_61, %scan3A_145 = %scan3A, %scan3A_146 = %scan3A_62, %scan3A_147 = %scan3A_63, %scan3A_148 = %scan3A_64, %scan3A_149 = %scan3A_65, %scan3A_150 = %scan3A_66) -> (i32, i32, i32, i32, i32, i32, i32)  : i32 {
        %eq3A_151 = arith.constant 0 : i32
        %eq3A_152 = arith.cmpi eq, %scan3A_143, %eq3A_151 : i32
        %eq3A_153 = arith.constant 63 : i32
        %eq3A_154 = arith.cmpi eq, %scan3A_143, %eq3A_153 : i32
        %add3A_155 = arith.addi %scan3A_150, %mul3A_6 : i32
        %sub3A_156 = arith.constant 1 : i32
        %sub3A_157 = arith.subi %scan3A_150, %sub3A_156 : i32
        %select_n3A_158 = arith.constant true
        %select_n3A_159 = arith.select %select_n3A_158, %sub3A_157, %scan3A_150 : i32
        %eq3A_160 = arith.constant -1 : i32
        %eq3A_161 = arith.cmpi eq, %select_n3A_159, %eq3A_160 : i32
        %select_n3A_162 = arith.constant 63 : i32
        %select_n3A_163 = arith.select %eq3A_161, %select_n3A_162, %select_n3A_159 : i32
        %add3A_164 = arith.addi %select_n3A_163, %mul3A_6 : i32
        %add3A_165 = arith.constant 1 : i32
        %add3A_166 = arith.addi %scan3A_150, %add3A_165 : i32
        %select_n3A_167 = arith.constant true
        %select_n3A_168 = arith.select %select_n3A_167, %add3A_166, %scan3A_150 : i32
        %eq3A_169 = arith.constant 64 : i32
        %eq3A_170 = arith.cmpi eq, %select_n3A_168, %eq3A_169 : i32
        %select_n3A_171 = arith.constant 0 : i32
        %select_n3A_172 = arith.select %eq3A_170, %select_n3A_171, %select_n3A_168 : i32
        %add3A_173 = arith.addi %select_n3A_172, %mul3A_6 : i32
        %add3A_174 = arith.constant 1 : i32
        %add3A_175 = arith.addi %select_n3A_172, %add3A_174 : i32
        %select_n3A_176 = arith.constant true
        %select_n3A_177 = arith.select %select_n3A_176, %add3A_175, %select_n3A_172 : i32
        %eq3A_178 = arith.constant 64 : i32
        %eq3A_179 = arith.cmpi eq, %select_n3A_177, %eq3A_178 : i32
        %select_n3A_180 = arith.constant 0 : i32
        %select_n3A_181 = arith.select %eq3A_179, %select_n3A_180, %select_n3A_177 : i32
        %add3A_182 = arith.addi %select_n3A_181, %mul3A_6 : i32
        %ne3A = arith.cmpi ne, %add3A_155, %add3A_173 : i32
        %or3A = arith.constant false
        %or3A_183 = arith.ori %or3A, %ne3A : i1
        %or3A_184 = arith.constant false
        %or3A_185 = arith.ori %or3A_183, %or3A_184 : i1
        %ge3A = arith.constant 63 : i32
        %ge3A_186 = arith.cmpi sge, %scan3A_143, %ge3A : i32
        %not3A = arith.constant true
        %not3A_187 = arith.xori %ge3A_186, %not3A : i1
        %and3A = arith.andi %or3A_185, %not3A_187 : i1
        %convert_element_type3A = arith.extui %and3A : i1 to i32
        %cond3A = arith.constant 0 : i32
        %cond3A_188 = arith.cmpi ne, %convert_element_type3A, %cond3A : i32
        scf.if %cond3A_188 {
          "tpu.trace_start"() <{level = 10 : i32, message = "ep_copy_in"}> : () -> ()
          %rem3A_829 = arith.constant 2 : i32
          %rem3A_830 = arith.remui %scan3A_144, %rem3A_829 : i32
          %mul3A_831 = arith.constant 16 : i32
          %mul3A_832 = arith.muli %mul3A_831, %add3A_173 : i32
          %dma_start3A_833 = arith.constant 0 : i32
          %dma_start3A_834 = arith.constant 0 : i32
          %dma_start3A_835 = tpu.memref_slice %run_scoped3A[%rem3A_830, %dma_start3A_833, %dma_start3A_834] : memref<2x16x64xf32, #tpu.memory_space<vmem>> -> memref<1x16x64xf32, #tpu.memory_space<vmem>>
          %dma_start3A_836 = tpu.memref_squeeze %dma_start3A_835 : memref<1x16x64xf32, #tpu.memory_space<vmem>> -> memref<16x64xf32, #tpu.memory_space<vmem>>
          %dma_start3A_837 = arith.constant 0 : i32
          %dma_start3A_838 = tpu.memref_slice %arg2[%mul3A_832, %dma_start3A_837] : memref<32768x64xf32, #tpu.memory_space<hbm>> -> memref<16x64xf32, #tpu.memory_space<hbm>>
          %dma_start3A_839 = tpu.memref_slice %run_scoped3A_7[%rem3A_830] : memref<2x!tpu.dma_semaphore, #tpu.memory_space<semaphore_mem>> -> memref<1x!tpu.dma_semaphore, #tpu.memory_space<semaphore_mem>>
          %dma_start3A_840 = tpu.memref_squeeze %dma_start3A_839 : memref<1x!tpu.dma_semaphore, #tpu.memory_space<semaphore_mem>> -> memref<!tpu.dma_semaphore, #tpu.memory_space<semaphore_mem>>
          %dma_start3A_841 = arith.constant 0 : i32
          %dma_start3A_842 = arith.constant 0 : i32
          %dma_start3A_843 = tpu.memref_slice %run_scoped3A[%rem3A_830, %dma_start3A_841, %dma_start3A_842] : memref<2x16x64xf32, #tpu.memory_space<vmem>> -> memref<1x16x64xf32, #tpu.memory_space<vmem>>
          %dma_start3A_844 = tpu.memref_squeeze %dma_start3A_843 : memref<1x16x64xf32, #tpu.memory_space<vmem>> -> memref<16x64xf32, #tpu.memory_space<vmem>>
          %dma_start3A_845 = arith.constant 0 : i32
          %dma_start3A_846 = tpu.memref_slice %arg2[%mul3A_832, %dma_start3A_845] : memref<32768x64xf32, #tpu.memory_space<hbm>> -> memref<16x64xf32, #tpu.memory_space<hbm>>
          tpu.enqueue_dma source(%dma_start3A_846 : memref<16x64xf32, #tpu.memory_space<hbm>>) target(%dma_start3A_844 : memref<16x64xf32, #tpu.memory_space<vmem>>) target_semaphore(%dma_start3A_840 : memref<!tpu.dma_semaphore, #tpu.memory_space<semaphore_mem>>)
          "tpu.trace_stop"() : () -> ()
        } else {
        }
        %and3A_189 = arith.constant true
        %and3A_190 = arith.andi %and3A, %and3A_189 : i1
        %add3A_191 = arith.constant 1 : i32
        %add3A_192 = arith.addi %scan3A_144, %add3A_191 : i32
        %select_n3A_193 = arith.select %and3A_190, %add3A_192, %scan3A_144 : i32
        %ne3A_194 = arith.cmpi ne, %add3A_155, %add3A_173 : i32
        %or3A_195 = arith.constant false
        %or3A_196 = arith.ori %or3A_195, %ne3A_194 : i1
        %or3A_197 = arith.constant false
        %or3A_198 = arith.ori %or3A_196, %or3A_197 : i1
        %ge3A_199 = arith.constant 63 : i32
        %ge3A_200 = arith.cmpi sge, %scan3A_143, %ge3A_199 : i32
        %not3A_201 = arith.constant true
        %not3A_202 = arith.xori %ge3A_200, %not3A_201 : i1
        %and3A_203 = arith.andi %or3A_198, %not3A_202 : i1
        %ne3A_204 = arith.cmpi ne, %add3A_155, %add3A_173 : i32
        %or3A_205 = arith.constant false
        %or3A_206 = arith.ori %or3A_205, %ne3A_204 : i1
        %or3A_207 = arith.constant false
        %or3A_208 = arith.ori %or3A_206, %or3A_207 : i1
        %ge3A_209 = arith.constant 63 : i32
        %ge3A_210 = arith.cmpi sge, %scan3A_143, %ge3A_209 : i32
        %not3A_211 = arith.constant true
        %not3A_212 = arith.xori %ge3A_210, %not3A_211 : i1
        %and3A_213 = arith.andi %or3A_208, %not3A_212 : i1
        %ne3A_214 = arith.cmpi ne, %add3A_155, %add3A_164 : i32
        %or3A_215 = arith.constant false
        %or3A_216 = arith.ori %or3A_215, %ne3A_214 : i1
        %or3A_217 = arith.constant false
        %or3A_218 = arith.ori %or3A_216, %or3A_217 : i1
        %or3A_219 = arith.ori %or3A_218, %eq3A_152 : i1
        %convert_element_type3A_220 = arith.extui %or3A_219 : i1 to i32
        %cond3A_221 = arith.constant 0 : i32
        %cond3A_222 = arith.cmpi ne, %convert_element_type3A_220, %cond3A_221 : i32
        scf.if %cond3A_222 {
          "tpu.trace_start"() <{level = 10 : i32, message = "ep_wait_in"}> : () -> ()
          %mul3A_829 = arith.constant 16 : i32
          %mul3A_830 = arith.muli %mul3A_829, %add3A_155 : i32
          %rem3A_831 = arith.constant 2 : i32
          %rem3A_832 = arith.remui %scan3A_145, %rem3A_831 : i32
          %dma_wait3A_833 = arith.constant 0 : i32
          %dma_wait3A_834 = arith.constant 0 : i32
          %dma_wait3A_835 = tpu.memref_slice %run_scoped3A[%rem3A_832, %dma_wait3A_833, %dma_wait3A_834] : memref<2x16x64xf32, #tpu.memory_space<vmem>> -> memref<1x16x64xf32, #tpu.memory_space<vmem>>
          %dma_wait3A_836 = tpu.memref_squeeze %dma_wait3A_835 : memref<1x16x64xf32, #tpu.memory_space<vmem>> -> memref<16x64xf32, #tpu.memory_space<vmem>>
          %dma_wait3A_837 = arith.constant 0 : i32
          %dma_wait3A_838 = tpu.memref_slice %arg2[%mul3A_830, %dma_wait3A_837] : memref<32768x64xf32, #tpu.memory_space<hbm>> -> memref<16x64xf32, #tpu.memory_space<hbm>>
          %dma_wait3A_839 = tpu.memref_slice %run_scoped3A_7[%rem3A_832] : memref<2x!tpu.dma_semaphore, #tpu.memory_space<semaphore_mem>> -> memref<1x!tpu.dma_semaphore, #tpu.memory_space<semaphore_mem>>
          %dma_wait3A_840 = tpu.memref_squeeze %dma_wait3A_839 : memref<1x!tpu.dma_semaphore, #tpu.memory_space<semaphore_mem>> -> memref<!tpu.dma_semaphore, #tpu.memory_space<semaphore_mem>>
          %dma_wait3A_841 = arith.constant 0 : i32
          %dma_wait3A_842 = arith.constant 0 : i32
          %dma_wait3A_843 = tpu.memref_slice %run_scoped3A[%rem3A_832, %dma_wait3A_841, %dma_wait3A_842] : memref<2x16x64xf32, #tpu.memory_space<vmem>> -> memref<1x16x64xf32, #tpu.memory_space<vmem>>
          %dma_wait3A_844 = tpu.memref_squeeze %dma_wait3A_843 : memref<1x16x64xf32, #tpu.memory_space<vmem>> -> memref<16x64xf32, #tpu.memory_space<vmem>>
          %dma_wait3A_845 = arith.constant 0 : i32
          %dma_wait3A_846 = tpu.memref_slice %arg2[%mul3A_830, %dma_wait3A_845] : memref<32768x64xf32, #tpu.memory_space<hbm>> -> memref<16x64xf32, #tpu.memory_space<hbm>>
          tpu.wait_dma2 semaphore(%dma_wait3A_840 : memref<!tpu.dma_semaphore, #tpu.memory_space<semaphore_mem>>) src(%dma_wait3A_846 : memref<16x64xf32, #tpu.memory_space<hbm>>) dst(%dma_wait3A_844 : memref<16x64xf32, #tpu.memory_space<vmem>>)
          "tpu.trace_stop"() : () -> ()
        } else {
        }
        %ne3A_223 = arith.cmpi ne, %add3A_155, %add3A_164 : i32
        %or3A_224 = arith.constant false
        %or3A_225 = arith.ori %or3A_224, %ne3A_223 : i1
        %or3A_226 = arith.constant false
        %or3A_227 = arith.ori %or3A_225, %or3A_226 : i1
        %or3A_228 = arith.ori %or3A_227, %eq3A_152 : i1
        %convert_element_type3A_229 = arith.extui %or3A_228 : i1 to i32
        %cond3A_230 = arith.constant 0 : i32
        %cond3A_231 = arith.cmpi ne, %convert_element_type3A_229, %cond3A_230 : i32
        scf.if %cond3A_231 {
        } else {
        }
        %ne3A_232 = arith.cmpi ne, %add3A_155, %add3A_164 : i32
        %or3A_233 = arith.constant false
        %or3A_234 = arith.ori %or3A_233, %ne3A_232 : i1
        %or3A_235 = arith.constant false
        %or3A_236 = arith.ori %or3A_234, %or3A_235 : i1
        %or3A_237 = arith.ori %or3A_236, %eq3A_152 : i1
        %convert_element_type3A_238 = arith.extui %or3A_237 : i1 to i32
        %cond3A_239 = arith.constant 0 : i32
        %cond3A_240 = arith.cmpi ne, %convert_element_type3A_238, %cond3A_239 : i32
        scf.if %cond3A_240 {
        } else {
        }
        %rem3A_241 = arith.constant 2 : i32
        %rem3A_242 = arith.remui %scan3A_145, %rem3A_241 : i32
        %rem3A_243 = arith.constant 2 : i32
        %rem3A_244 = arith.remui %scan3A_146, %rem3A_243 : i32
        %rem3A_245 = arith.constant 2 : i32
        %rem3A_246 = arith.remui %scan3A_148, %rem3A_245 : i32
        "tpu.trace_start"() <{level = 10 : i32, message = "ep_run_kernel"}> : () -> ()
        %iota3A = tpu.iota {dimensions = array<i32: 0>} : vector<16xi32>
        %broadcast_in_dim3A = arith.constant 0.000000e+00 : f32
        %broadcast_in_dim3A_247 = vector.broadcast %broadcast_in_dim3A : f32 to vector<16xf32>
        %scan3A_248 = arith.constant 0 : i32
        %scan3A_249 = arith.constant 64 : i32
        %scan3A_250 = arith.addi %scan3A_248, %scan3A_249 : i32
        %scan3A_251 = arith.constant 1 : i32
        %scan3A_252:2 = scf.for %scan3A_829 = %scan3A_248 to %scan3A_250 step %scan3A_251 iter_args(%scan3A_830 = %broadcast_in_dim3A_247, %scan3A_831 = %broadcast_in_dim3A_247) -> (vector<16xf32>, vector<16xf32>)  : i32 {
          %broadcast_in_dim3A_832 = vector.broadcast %scan3A_829 : i32 to vector<16xi32>
          %gather3A = arith.constant 0 : i32
          %gather3A_833 = arith.constant 0 : i32
          %gather3A_834 = tpu.memref_slice %run_scoped3A[%rem3A_242, %gather3A, %gather3A_833] : memref<2x16x64xf32, #tpu.memory_space<vmem>> -> memref<1x16x64xf32, #tpu.memory_space<vmem>>
          %gather3A_835 = tpu.memref_squeeze %gather3A_834 : memref<1x16x64xf32, #tpu.memory_space<vmem>> -> memref<16x64xf32, #tpu.memory_space<vmem>>
          %gather3A_836 = tpu.vector_load_idx %gather3A_835[%iota3A, %broadcast_in_dim3A_832] : memref<16x64xf32, #tpu.memory_space<vmem>>[vector<16xi32>, vector<16xi32>], vector<16xf32>,
          %mul3A_837 = arith.constant 16 : i32
          %mul3A_838 = arith.muli %scan3A_829, %mul3A_837 : i32
          %swap3A = arith.index_cast %mul3A_838 : i32 to index
          %swap3A_839 = tpu.vector_load %arg7[%swap3A] {strides = array<i32>} : memref<1024xf32, #tpu.memory_space<vmem>>, vector<16xf32>,
          tpu.vector_store %arg7[%swap3A], %gather3A_836 {strides = array<i32>} : memref<1024xf32, #tpu.memory_space<vmem>>, vector<16xf32>,
          %add3A_840 = arith.addf %scan3A_830, %gather3A_836 : vector<16xf32>
          %mul3A_841 = arith.mulf %gather3A_836, %gather3A_836 : vector<16xf32>
          %add3A_842 = arith.addf %scan3A_831, %mul3A_841 : vector<16xf32>
          scf.yield %add3A_840, %add3A_842 : vector<16xf32>, vector<16xf32>
        }
        %scan3A_253 = arith.constant 64 : i32
        %mul3A_254 = arith.constant 1.562500e-02 : f32
        %mul3A_255 = vector.broadcast %mul3A_254 : f32 to vector<16xf32>
        %mul3A_256 = arith.mulf %scan3A_252#0, %mul3A_255 : vector<16xf32>
        %mul3A_257 = arith.mulf %scan3A_252#0, %mul3A_256 : vector<16xf32>
        %sub3A_258 = arith.subf %scan3A_252#1, %mul3A_257 : vector<16xf32>
        %mul3A_259 = arith.constant 0.0158730168 : f32
        %mul3A_260 = vector.broadcast %mul3A_259 : f32 to vector<16xf32>
        %mul3A_261 = arith.mulf %sub3A_258, %mul3A_260 : vector<16xf32>
        %max3A = arith.constant 1.000000e-30 : f32
        %max3A_262 = vector.broadcast %max3A : f32 to vector<16xf32>
        %max3A_263 = arith.maximumf %mul3A_261, %max3A_262 : vector<16xf32>
        %bitcast3A = vector.bitcast %max3A_263 : vector<16xf32> to vector<16xi32>
        %shift_right_arithmetic3A = arith.constant 1 : i32
        %shift_right_arithmetic3A_264 = vector.broadcast %shift_right_arithmetic3A : i32 to vector<16xi32>
        %shift_right_arithmetic3A_265 = arith.shrsi %bitcast3A, %shift_right_arithmetic3A_264 : vector<16xi32>
        %sub3A_266 = arith.constant 1597463007 : i32
        %sub3A_267 = vector.broadcast %sub3A_266 : i32 to vector<16xi32>
        %sub3A_268 = arith.subi %sub3A_267, %shift_right_arithmetic3A_265 : vector<16xi32>
        %bitcast3A_269 = vector.bitcast %sub3A_268 : vector<16xi32> to vector<16xf32>
        %mul3A_270 = arith.constant 5.000000e-01 : f32
        %mul3A_271 = vector.broadcast %mul3A_270 : f32 to vector<16xf32>
        %mul3A_272 = arith.mulf %mul3A_271, %max3A_263 : vector<16xf32>
        %mul3A_273 = arith.mulf %mul3A_272, %bitcast3A_269 : vector<16xf32>
        %mul3A_274 = arith.mulf %mul3A_273, %bitcast3A_269 : vector<16xf32>
        %sub3A_275 = arith.constant 1.500000e+00 : f32
        %sub3A_276 = vector.broadcast %sub3A_275 : f32 to vector<16xf32>
        %sub3A_277 = arith.subf %sub3A_276, %mul3A_274 : vector<16xf32>
        %mul3A_278 = arith.mulf %bitcast3A_269, %sub3A_277 : vector<16xf32>
        %mul3A_279 = arith.constant 5.000000e-01 : f32
        %mul3A_280 = vector.broadcast %mul3A_279 : f32 to vector<16xf32>
        %mul3A_281 = arith.mulf %mul3A_280, %max3A_263 : vector<16xf32>
        %mul3A_282 = arith.mulf %mul3A_281, %mul3A_278 : vector<16xf32>
        %mul3A_283 = arith.mulf %mul3A_282, %mul3A_278 : vector<16xf32>
        %sub3A_284 = arith.constant 1.500000e+00 : f32
        %sub3A_285 = vector.broadcast %sub3A_284 : f32 to vector<16xf32>
        %sub3A_286 = arith.subf %sub3A_285, %mul3A_283 : vector<16xf32>
        %mul3A_287 = arith.mulf %mul3A_278, %sub3A_286 : vector<16xf32>
        %mul3A_288 = arith.mulf %max3A_263, %mul3A_287 : vector<16xf32>
        %div3A = arith.divf %max3A_263, %mul3A_288 : vector<16xf32>
        %add3A_289 = arith.addf %mul3A_288, %div3A : vector<16xf32>
        %mul3A_290 = arith.constant 5.000000e-01 : f32
        %mul3A_291 = vector.broadcast %mul3A_290 : f32 to vector<16xf32>
        %mul3A_292 = arith.mulf %mul3A_291, %add3A_289 : vector<16xf32>
        %add3A_293 = arith.constant 9.99999974E-6 : f32
        %add3A_294 = vector.broadcast %add3A_293 : f32 to vector<16xf32>
        %add3A_295 = arith.addf %mul3A_292, %add3A_294 : vector<16xf32>
        %div3A_296 = arith.constant 3.000000e+00 : f32
        %div3A_297 = vector.broadcast %div3A_296 : f32 to vector<16xf32>
        %div3A_298 = arith.divf %div3A_297, %add3A_295 : vector<16xf32>
        %mul3A_299 = arith.mulf %mul3A_256, %div3A_298 : vector<16xf32>
        %sub3A_300 = arith.constant 3.500000e+00 : f32
        %sub3A_301 = vector.broadcast %sub3A_300 : f32 to vector<16xf32>
        %sub3A_302 = arith.subf %sub3A_301, %mul3A_299 : vector<16xf32>
        %scan3A_303 = arith.constant 0 : i32
        %scan3A_304 = arith.constant 64 : i32
        %scan3A_305 = arith.addi %scan3A_303, %scan3A_304 : i32
        %scan3A_306 = arith.constant 1 : i32
        %scan3A_307:2 = scf.for %scan3A_829 = %scan3A_303 to %scan3A_305 step %scan3A_306 iter_args(%scan3A_830 = %broadcast_in_dim3A_247, %scan3A_831 = %broadcast_in_dim3A_247) -> (vector<16xf32>, vector<16xf32>)  : i32 {
          %mul3A_832 = arith.constant 16 : i32
          %mul3A_833 = arith.muli %scan3A_829, %mul3A_832 : i32
          %get3A = arith.index_cast %mul3A_833 : i32 to index
          %get3A_834 = tpu.vector_load %arg7[%get3A] {strides = array<i32>} : memref<1024xf32, #tpu.memory_space<vmem>>, vector<16xf32>,
          %mul3A_835 = arith.mulf %get3A_834, %div3A_298 : vector<16xf32>
          %add3A_836 = arith.addf %mul3A_835, %sub3A_302 : vector<16xf32>
          %max3A_837 = arith.constant 5.000000e-01 : f32
          %max3A_838 = vector.broadcast %max3A_837 : f32 to vector<16xf32>
          %max3A_839 = arith.maximumf %add3A_836, %max3A_838 : vector<16xf32>
          %min3A = arith.constant 6.500000e+00 : f32
          %min3A_840 = vector.broadcast %min3A : f32 to vector<16xf32>
          %min3A_841 = arith.minimumf %max3A_839, %min3A_840 : vector<16xf32>
          %convert_element_type3A_842 = arith.fptosi %min3A_841 : vector<16xf32> to vector<16xi32>
          %mul3A_843 = arith.constant 8 : i32
          %mul3A_844 = arith.muli %scan3A_829, %mul3A_843 : i32
          %add3A_845 = arith.constant 0 : i32
          %add3A_846 = arith.addi %mul3A_844, %add3A_845 : i32
          %broadcast_in_dim3A_847 = vector.broadcast %add3A_846 : i32 to vector<16xi32>
          %scatter3A = arith.constant 0 : i32
          %scatter3A_848 = arith.constant 0 : i32
          %scatter3A_849 = tpu.memref_slice %run_scoped3A_10[%rem3A_246, %scatter3A, %scatter3A_848] : memref<2x16x512xi32, #tpu.memory_space<vmem>> -> memref<1x16x512xi32, #tpu.memory_space<vmem>>
          %scatter3A_850 = tpu.memref_squeeze %scatter3A_849 : memref<1x16x512xi32, #tpu.memory_space<vmem>> -> memref<16x512xi32, #tpu.memory_space<vmem>>
          tpu.vector_store_idx %scatter3A_850[%iota3A, %broadcast_in_dim3A_847], %convert_element_type3A_842 : memref<16x512xi32, #tpu.memory_space<vmem>>[vector<16xi32>, vector<16xi32>], vector<16xi32>,
          %gather3A = tpu.vector_load_idx %arg6[%convert_element_type3A_842] : memref<16xf32, #tpu.memory_space<vmem>>[vector<16xi32>], vector<16xf32>,
          %mul3A_851 = arith.mulf %gather3A, %add3A_295 : vector<16xf32>
          %add3A_852 = arith.addf %mul3A_851, %mul3A_256 : vector<16xf32>
          %sub3A_853 = arith.subf %get3A_834, %add3A_852 : vector<16xf32>
          %mul3A_854 = arith.constant 16 : i32
          %mul3A_855 = arith.muli %scan3A_829, %mul3A_854 : i32
          %swap3A = arith.index_cast %mul3A_855 : i32 to index
          %swap3A_856 = tpu.vector_load %arg7[%swap3A] {strides = array<i32>} : memref<1024xf32, #tpu.memory_space<vmem>>, vector<16xf32>,
          tpu.vector_store %arg7[%swap3A], %sub3A_853 {strides = array<i32>} : memref<1024xf32, #tpu.memory_space<vmem>>, vector<16xf32>,
          %add3A_857 = arith.addf %scan3A_830, %sub3A_853 : vector<16xf32>
          %mul3A_858 = arith.mulf %sub3A_853, %sub3A_853 : vector<16xf32>
          %add3A_859 = arith.addf %scan3A_831, %mul3A_858 : vector<16xf32>
          scf.yield %add3A_857, %add3A_859 : vector<16xf32>, vector<16xf32>
        }
        %scan3A_308 = arith.constant 64 : i32
        %mul3A_309 = arith.constant 1.562500e-02 : f32
        %mul3A_310 = vector.broadcast %mul3A_309 : f32 to vector<16xf32>
        %mul3A_311 = arith.mulf %scan3A_307#0, %mul3A_310 : vector<16xf32>
        %mul3A_312 = arith.mulf %scan3A_307#0, %mul3A_311 : vector<16xf32>
        %sub3A_313 = arith.subf %scan3A_307#1, %mul3A_312 : vector<16xf32>
        %mul3A_314 = arith.constant 0.0158730168 : f32
        %mul3A_315 = vector.broadcast %mul3A_314 : f32 to vector<16xf32>
        %mul3A_316 = arith.mulf %sub3A_313, %mul3A_315 : vector<16xf32>
        %max3A_317 = arith.constant 1.000000e-30 : f32
        %max3A_318 = vector.broadcast %max3A_317 : f32 to vector<16xf32>
        %max3A_319 = arith.maximumf %mul3A_316, %max3A_318 : vector<16xf32>
        %bitcast3A_320 = vector.bitcast %max3A_319 : vector<16xf32> to vector<16xi32>
        %shift_right_arithmetic3A_321 = arith.constant 1 : i32
        %shift_right_arithmetic3A_322 = vector.broadcast %shift_right_arithmetic3A_321 : i32 to vector<16xi32>
        %shift_right_arithmetic3A_323 = arith.shrsi %bitcast3A_320, %shift_right_arithmetic3A_322 : vector<16xi32>
        %sub3A_324 = arith.constant 1597463007 : i32
        %sub3A_325 = vector.broadcast %sub3A_324 : i32 to vector<16xi32>
        %sub3A_326 = arith.subi %sub3A_325, %shift_right_arithmetic3A_323 : vector<16xi32>
        %bitcast3A_327 = vector.bitcast %sub3A_326 : vector<16xi32> to vector<16xf32>
        %mul3A_328 = arith.constant 5.000000e-01 : f32
        %mul3A_329 = vector.broadcast %mul3A_328 : f32 to vector<16xf32>
        %mul3A_330 = arith.mulf %mul3A_329, %max3A_319 : vector<16xf32>
        %mul3A_331 = arith.mulf %mul3A_330, %bitcast3A_327 : vector<16xf32>
        %mul3A_332 = arith.mulf %mul3A_331, %bitcast3A_327 : vector<16xf32>
        %sub3A_333 = arith.constant 1.500000e+00 : f32
        %sub3A_334 = vector.broadcast %sub3A_333 : f32 to vector<16xf32>
        %sub3A_335 = arith.subf %sub3A_334, %mul3A_332 : vector<16xf32>
        %mul3A_336 = arith.mulf %bitcast3A_327, %sub3A_335 : vector<16xf32>
        %mul3A_337 = arith.constant 5.000000e-01 : f32
        %mul3A_338 = vector.broadcast %mul3A_337 : f32 to vector<16xf32>
        %mul3A_339 = arith.mulf %mul3A_338, %max3A_319 : vector<16xf32>
        %mul3A_340 = arith.mulf %mul3A_339, %mul3A_336 : vector<16xf32>
        %mul3A_341 = arith.mulf %mul3A_340, %mul3A_336 : vector<16xf32>
        %sub3A_342 = arith.constant 1.500000e+00 : f32
        %sub3A_343 = vector.broadcast %sub3A_342 : f32 to vector<16xf32>
        %sub3A_344 = arith.subf %sub3A_343, %mul3A_341 : vector<16xf32>
        %mul3A_345 = arith.mulf %mul3A_336, %sub3A_344 : vector<16xf32>
        %mul3A_346 = arith.mulf %max3A_319, %mul3A_345 : vector<16xf32>
        %div3A_347 = arith.divf %max3A_319, %mul3A_346 : vector<16xf32>
        %add3A_348 = arith.addf %mul3A_346, %div3A_347 : vector<16xf32>
        %mul3A_349 = arith.constant 5.000000e-01 : f32
        %mul3A_350 = vector.broadcast %mul3A_349 : f32 to vector<16xf32>
        %mul3A_351 = arith.mulf %mul3A_350, %add3A_348 : vector<16xf32>
        %add3A_352 = arith.constant 9.99999974E-6 : f32
        %add3A_353 = vector.broadcast %add3A_352 : f32 to vector<16xf32>
        %add3A_354 = arith.addf %mul3A_351, %add3A_353 : vector<16xf32>
        %div3A_355 = arith.constant 3.000000e+00 : f32
        %div3A_356 = vector.broadcast %div3A_355 : f32 to vector<16xf32>
        %div3A_357 = arith.divf %div3A_356, %add3A_354 : vector<16xf32>
        %mul3A_358 = arith.mulf %mul3A_311, %div3A_357 : vector<16xf32>
        %sub3A_359 = arith.constant 3.500000e+00 : f32
        %sub3A_360 = vector.broadcast %sub3A_359 : f32 to vector<16xf32>
        %sub3A_361 = arith.subf %sub3A_360, %mul3A_358 : vector<16xf32>
        %scan3A_362 = arith.constant 0 : i32
        %scan3A_363 = arith.constant 64 : i32
        %scan3A_364 = arith.addi %scan3A_362, %scan3A_363 : i32
        %scan3A_365 = arith.constant 1 : i32
        %scan3A_366:2 = scf.for %scan3A_829 = %scan3A_362 to %scan3A_364 step %scan3A_365 iter_args(%scan3A_830 = %broadcast_in_dim3A_247, %scan3A_831 = %broadcast_in_dim3A_247) -> (vector<16xf32>, vector<16xf32>)  : i32 {
          %mul3A_832 = arith.constant 16 : i32
          %mul3A_833 = arith.muli %scan3A_829, %mul3A_832 : i32
          %get3A = arith.index_cast %mul3A_833 : i32 to index
          %get3A_834 = tpu.vector_load %arg7[%get3A] {strides = array<i32>} : memref<1024xf32, #tpu.memory_space<vmem>>, vector<16xf32>,
          %mul3A_835 = arith.mulf %get3A_834, %div3A_357 : vector<16xf32>
          %add3A_836 = arith.addf %mul3A_835, %sub3A_361 : vector<16xf32>
          %max3A_837 = arith.constant 5.000000e-01 : f32
          %max3A_838 = vector.broadcast %max3A_837 : f32 to vector<16xf32>
          %max3A_839 = arith.maximumf %add3A_836, %max3A_838 : vector<16xf32>
          %min3A = arith.constant 6.500000e+00 : f32
          %min3A_840 = vector.broadcast %min3A : f32 to vector<16xf32>
          %min3A_841 = arith.minimumf %max3A_839, %min3A_840 : vector<16xf32>
          %convert_element_type3A_842 = arith.fptosi %min3A_841 : vector<16xf32> to vector<16xi32>
          %mul3A_843 = arith.constant 8 : i32
          %mul3A_844 = arith.muli %scan3A_829, %mul3A_843 : i32
          %add3A_845 = arith.constant 1 : i32
          %add3A_846 = arith.addi %mul3A_844, %add3A_845 : i32
          %broadcast_in_dim3A_847 = vector.broadcast %add3A_846 : i32 to vector<16xi32>
          %scatter3A = arith.constant 0 : i32
          %scatter3A_848 = arith.constant 0 : i32
          %scatter3A_849 = tpu.memref_slice %run_scoped3A_10[%rem3A_246, %scatter3A, %scatter3A_848] : memref<2x16x512xi32, #tpu.memory_space<vmem>> -> memref<1x16x512xi32, #tpu.memory_space<vmem>>
          %scatter3A_850 = tpu.memref_squeeze %scatter3A_849 : memref<1x16x512xi32, #tpu.memory_space<vmem>> -> memref<16x512xi32, #tpu.memory_space<vmem>>
          tpu.vector_store_idx %scatter3A_850[%iota3A, %broadcast_in_dim3A_847], %convert_element_type3A_842 : memref<16x512xi32, #tpu.memory_space<vmem>>[vector<16xi32>, vector<16xi32>], vector<16xi32>,
          %gather3A = tpu.vector_load_idx %arg6[%convert_element_type3A_842] : memref<16xf32, #tpu.memory_space<vmem>>[vector<16xi32>], vector<16xf32>,
          %mul3A_851 = arith.mulf %gather3A, %add3A_354 : vector<16xf32>
          %add3A_852 = arith.addf %mul3A_851, %mul3A_311 : vector<16xf32>
          %sub3A_853 = arith.subf %get3A_834, %add3A_852 : vector<16xf32>
          %mul3A_854 = arith.constant 16 : i32
          %mul3A_855 = arith.muli %scan3A_829, %mul3A_854 : i32
          %swap3A = arith.index_cast %mul3A_855 : i32 to index
          %swap3A_856 = tpu.vector_load %arg7[%swap3A] {strides = array<i32>} : memref<1024xf32, #tpu.memory_space<vmem>>, vector<16xf32>,
          tpu.vector_store %arg7[%swap3A], %sub3A_853 {strides = array<i32>} : memref<1024xf32, #tpu.memory_space<vmem>>, vector<16xf32>,
          %add3A_857 = arith.addf %scan3A_830, %sub3A_853 : vector<16xf32>
          %mul3A_858 = arith.mulf %sub3A_853, %sub3A_853 : vector<16xf32>
          %add3A_859 = arith.addf %scan3A_831, %mul3A_858 : vector<16xf32>
          scf.yield %add3A_857, %add3A_859 : vector<16xf32>, vector<16xf32>
        }
        %scan3A_367 = arith.constant 64 : i32
        %mul3A_368 = arith.constant 1.562500e-02 : f32
        %mul3A_369 = vector.broadcast %mul3A_368 : f32 to vector<16xf32>
        %mul3A_370 = arith.mulf %scan3A_366#0, %mul3A_369 : vector<16xf32>
        %mul3A_371 = arith.mulf %scan3A_366#0, %mul3A_370 : vector<16xf32>
        %sub3A_372 = arith.subf %scan3A_366#1, %mul3A_371 : vector<16xf32>
        %mul3A_373 = arith.constant 0.0158730168 : f32
        %mul3A_374 = vector.broadcast %mul3A_373 : f32 to vector<16xf32>
        %mul3A_375 = arith.mulf %sub3A_372, %mul3A_374 : vector<16xf32>
        %max3A_376 = arith.constant 1.000000e-30 : f32
        %max3A_377 = vector.broadcast %max3A_376 : f32 to vector<16xf32>
        %max3A_378 = arith.maximumf %mul3A_375, %max3A_377 : vector<16xf32>
        %bitcast3A_379 = vector.bitcast %max3A_378 : vector<16xf32> to vector<16xi32>
        %shift_right_arithmetic3A_380 = arith.constant 1 : i32
        %shift_right_arithmetic3A_381 = vector.broadcast %shift_right_arithmetic3A_380 : i32 to vector<16xi32>
        %shift_right_arithmetic3A_382 = arith.shrsi %bitcast3A_379, %shift_right_arithmetic3A_381 : vector<16xi32>
        %sub3A_383 = arith.constant 1597463007 : i32
        %sub3A_384 = vector.broadcast %sub3A_383 : i32 to vector<16xi32>
        %sub3A_385 = arith.subi %sub3A_384, %shift_right_arithmetic3A_382 : vector<16xi32>
        %bitcast3A_386 = vector.bitcast %sub3A_385 : vector<16xi32> to vector<16xf32>
        %mul3A_387 = arith.constant 5.000000e-01 : f32
        %mul3A_388 = vector.broadcast %mul3A_387 : f32 to vector<16xf32>
        %mul3A_389 = arith.mulf %mul3A_388, %max3A_378 : vector<16xf32>
        %mul3A_390 = arith.mulf %mul3A_389, %bitcast3A_386 : vector<16xf32>
        %mul3A_391 = arith.mulf %mul3A_390, %bitcast3A_386 : vector<16xf32>
        %sub3A_392 = arith.constant 1.500000e+00 : f32
        %sub3A_393 = vector.broadcast %sub3A_392 : f32 to vector<16xf32>
        %sub3A_394 = arith.subf %sub3A_393, %mul3A_391 : vector<16xf32>
        %mul3A_395 = arith.mulf %bitcast3A_386, %sub3A_394 : vector<16xf32>
        %mul3A_396 = arith.constant 5.000000e-01 : f32
        %mul3A_397 = vector.broadcast %mul3A_396 : f32 to vector<16xf32>
        %mul3A_398 = arith.mulf %mul3A_397, %max3A_378 : vector<16xf32>
        %mul3A_399 = arith.mulf %mul3A_398, %mul3A_395 : vector<16xf32>
        %mul3A_400 = arith.mulf %mul3A_399, %mul3A_395 : vector<16xf32>
        %sub3A_401 = arith.constant 1.500000e+00 : f32
        %sub3A_402 = vector.broadcast %sub3A_401 : f32 to vector<16xf32>
        %sub3A_403 = arith.subf %sub3A_402, %mul3A_400 : vector<16xf32>
        %mul3A_404 = arith.mulf %mul3A_395, %sub3A_403 : vector<16xf32>
        %mul3A_405 = arith.mulf %max3A_378, %mul3A_404 : vector<16xf32>
        %div3A_406 = arith.divf %max3A_378, %mul3A_405 : vector<16xf32>
        %add3A_407 = arith.addf %mul3A_405, %div3A_406 : vector<16xf32>
        %mul3A_408 = arith.constant 5.000000e-01 : f32
        %mul3A_409 = vector.broadcast %mul3A_408 : f32 to vector<16xf32>
        %mul3A_410 = arith.mulf %mul3A_409, %add3A_407 : vector<16xf32>
        %add3A_411 = arith.constant 9.99999974E-6 : f32
        %add3A_412 = vector.broadcast %add3A_411 : f32 to vector<16xf32>
        %add3A_413 = arith.addf %mul3A_410, %add3A_412 : vector<16xf32>
        %div3A_414 = arith.constant 3.000000e+00 : f32
        %div3A_415 = vector.broadcast %div3A_414 : f32 to vector<16xf32>
        %div3A_416 = arith.divf %div3A_415, %add3A_413 : vector<16xf32>
        %mul3A_417 = arith.mulf %mul3A_370, %div3A_416 : vector<16xf32>
        %sub3A_418 = arith.constant 3.500000e+00 : f32
        %sub3A_419 = vector.broadcast %sub3A_418 : f32 to vector<16xf32>
        %sub3A_420 = arith.subf %sub3A_419, %mul3A_417 : vector<16xf32>
        %scan3A_421 = arith.constant 0 : i32
        %scan3A_422 = arith.constant 64 : i32
        %scan3A_423 = arith.addi %scan3A_421, %scan3A_422 : i32
        %scan3A_424 = arith.constant 1 : i32
        %scan3A_425:2 = scf.for %scan3A_829 = %scan3A_421 to %scan3A_423 step %scan3A_424 iter_args(%scan3A_830 = %broadcast_in_dim3A_247, %scan3A_831 = %broadcast_in_dim3A_247) -> (vector<16xf32>, vector<16xf32>)  : i32 {
          %mul3A_832 = arith.constant 16 : i32
          %mul3A_833 = arith.muli %scan3A_829, %mul3A_832 : i32
          %get3A = arith.index_cast %mul3A_833 : i32 to index
          %get3A_834 = tpu.vector_load %arg7[%get3A] {strides = array<i32>} : memref<1024xf32, #tpu.memory_space<vmem>>, vector<16xf32>,
          %mul3A_835 = arith.mulf %get3A_834, %div3A_416 : vector<16xf32>
          %add3A_836 = arith.addf %mul3A_835, %sub3A_420 : vector<16xf32>
          %max3A_837 = arith.constant 5.000000e-01 : f32
          %max3A_838 = vector.broadcast %max3A_837 : f32 to vector<16xf32>
          %max3A_839 = arith.maximumf %add3A_836, %max3A_838 : vector<16xf32>
          %min3A = arith.constant 6.500000e+00 : f32
          %min3A_840 = vector.broadcast %min3A : f32 to vector<16xf32>
          %min3A_841 = arith.minimumf %max3A_839, %min3A_840 : vector<16xf32>
          %convert_element_type3A_842 = arith.fptosi %min3A_841 : vector<16xf32> to vector<16xi32>
          %mul3A_843 = arith.constant 8 : i32
          %mul3A_844 = arith.muli %scan3A_829, %mul3A_843 : i32
          %add3A_845 = arith.constant 2 : i32
          %add3A_846 = arith.addi %mul3A_844, %add3A_845 : i32
          %broadcast_in_dim3A_847 = vector.broadcast %add3A_846 : i32 to vector<16xi32>
          %scatter3A = arith.constant 0 : i32
          %scatter3A_848 = arith.constant 0 : i32
          %scatter3A_849 = tpu.memref_slice %run_scoped3A_10[%rem3A_246, %scatter3A, %scatter3A_848] : memref<2x16x512xi32, #tpu.memory_space<vmem>> -> memref<1x16x512xi32, #tpu.memory_space<vmem>>
          %scatter3A_850 = tpu.memref_squeeze %scatter3A_849 : memref<1x16x512xi32, #tpu.memory_space<vmem>> -> memref<16x512xi32, #tpu.memory_space<vmem>>
          tpu.vector_store_idx %scatter3A_850[%iota3A, %broadcast_in_dim3A_847], %convert_element_type3A_842 : memref<16x512xi32, #tpu.memory_space<vmem>>[vector<16xi32>, vector<16xi32>], vector<16xi32>,
          %gather3A = tpu.vector_load_idx %arg6[%convert_element_type3A_842] : memref<16xf32, #tpu.memory_space<vmem>>[vector<16xi32>], vector<16xf32>,
          %mul3A_851 = arith.mulf %gather3A, %add3A_413 : vector<16xf32>
          %add3A_852 = arith.addf %mul3A_851, %mul3A_370 : vector<16xf32>
          %sub3A_853 = arith.subf %get3A_834, %add3A_852 : vector<16xf32>
          %mul3A_854 = arith.constant 16 : i32
          %mul3A_855 = arith.muli %scan3A_829, %mul3A_854 : i32
          %swap3A = arith.index_cast %mul3A_855 : i32 to index
          %swap3A_856 = tpu.vector_load %arg7[%swap3A] {strides = array<i32>} : memref<1024xf32, #tpu.memory_space<vmem>>, vector<16xf32>,
          tpu.vector_store %arg7[%swap3A], %sub3A_853 {strides = array<i32>} : memref<1024xf32, #tpu.memory_space<vmem>>, vector<16xf32>,
          %add3A_857 = arith.addf %scan3A_830, %sub3A_853 : vector<16xf32>
          %mul3A_858 = arith.mulf %sub3A_853, %sub3A_853 : vector<16xf32>
          %add3A_859 = arith.addf %scan3A_831, %mul3A_858 : vector<16xf32>
          scf.yield %add3A_857, %add3A_859 : vector<16xf32>, vector<16xf32>
        }
        %scan3A_426 = arith.constant 64 : i32
        %mul3A_427 = arith.constant 1.562500e-02 : f32
        %mul3A_428 = vector.broadcast %mul3A_427 : f32 to vector<16xf32>
        %mul3A_429 = arith.mulf %scan3A_425#0, %mul3A_428 : vector<16xf32>
        %mul3A_430 = arith.mulf %scan3A_425#0, %mul3A_429 : vector<16xf32>
        %sub3A_431 = arith.subf %scan3A_425#1, %mul3A_430 : vector<16xf32>
        %mul3A_432 = arith.constant 0.0158730168 : f32
        %mul3A_433 = vector.broadcast %mul3A_432 : f32 to vector<16xf32>
        %mul3A_434 = arith.mulf %sub3A_431, %mul3A_433 : vector<16xf32>
        %max3A_435 = arith.constant 1.000000e-30 : f32
        %max3A_436 = vector.broadcast %max3A_435 : f32 to vector<16xf32>
        %max3A_437 = arith.maximumf %mul3A_434, %max3A_436 : vector<16xf32>
        %bitcast3A_438 = vector.bitcast %max3A_437 : vector<16xf32> to vector<16xi32>
        %shift_right_arithmetic3A_439 = arith.constant 1 : i32
        %shift_right_arithmetic3A_440 = vector.broadcast %shift_right_arithmetic3A_439 : i32 to vector<16xi32>
        %shift_right_arithmetic3A_441 = arith.shrsi %bitcast3A_438, %shift_right_arithmetic3A_440 : vector<16xi32>
        %sub3A_442 = arith.constant 1597463007 : i32
        %sub3A_443 = vector.broadcast %sub3A_442 : i32 to vector<16xi32>
        %sub3A_444 = arith.subi %sub3A_443, %shift_right_arithmetic3A_441 : vector<16xi32>
        %bitcast3A_445 = vector.bitcast %sub3A_444 : vector<16xi32> to vector<16xf32>
        %mul3A_446 = arith.constant 5.000000e-01 : f32
        %mul3A_447 = vector.broadcast %mul3A_446 : f32 to vector<16xf32>
        %mul3A_448 = arith.mulf %mul3A_447, %max3A_437 : vector<16xf32>
        %mul3A_449 = arith.mulf %mul3A_448, %bitcast3A_445 : vector<16xf32>
        %mul3A_450 = arith.mulf %mul3A_449, %bitcast3A_445 : vector<16xf32>
        %sub3A_451 = arith.constant 1.500000e+00 : f32
        %sub3A_452 = vector.broadcast %sub3A_451 : f32 to vector<16xf32>
        %sub3A_453 = arith.subf %sub3A_452, %mul3A_450 : vector<16xf32>
        %mul3A_454 = arith.mulf %bitcast3A_445, %sub3A_453 : vector<16xf32>
        %mul3A_455 = arith.constant 5.000000e-01 : f32
        %mul3A_456 = vector.broadcast %mul3A_455 : f32 to vector<16xf32>
        %mul3A_457 = arith.mulf %mul3A_456, %max3A_437 : vector<16xf32>
        %mul3A_458 = arith.mulf %mul3A_457, %mul3A_454 : vector<16xf32>
        %mul3A_459 = arith.mulf %mul3A_458, %mul3A_454 : vector<16xf32>
        %sub3A_460 = arith.constant 1.500000e+00 : f32
        %sub3A_461 = vector.broadcast %sub3A_460 : f32 to vector<16xf32>
        %sub3A_462 = arith.subf %sub3A_461, %mul3A_459 : vector<16xf32>
        %mul3A_463 = arith.mulf %mul3A_454, %sub3A_462 : vector<16xf32>
        %mul3A_464 = arith.mulf %max3A_437, %mul3A_463 : vector<16xf32>
        %div3A_465 = arith.divf %max3A_437, %mul3A_464 : vector<16xf32>
        %add3A_466 = arith.addf %mul3A_464, %div3A_465 : vector<16xf32>
        %mul3A_467 = arith.constant 5.000000e-01 : f32
        %mul3A_468 = vector.broadcast %mul3A_467 : f32 to vector<16xf32>
        %mul3A_469 = arith.mulf %mul3A_468, %add3A_466 : vector<16xf32>
        %add3A_470 = arith.constant 9.99999974E-6 : f32
        %add3A_471 = vector.broadcast %add3A_470 : f32 to vector<16xf32>
        %add3A_472 = arith.addf %mul3A_469, %add3A_471 : vector<16xf32>
        %div3A_473 = arith.constant 3.000000e+00 : f32
        %div3A_474 = vector.broadcast %div3A_473 : f32 to vector<16xf32>
        %div3A_475 = arith.divf %div3A_474, %add3A_472 : vector<16xf32>
        %mul3A_476 = arith.mulf %mul3A_429, %div3A_475 : vector<16xf32>
        %sub3A_477 = arith.constant 3.500000e+00 : f32
        %sub3A_478 = vector.broadcast %sub3A_477 : f32 to vector<16xf32>
        %sub3A_479 = arith.subf %sub3A_478, %mul3A_476 : vector<16xf32>
        %scan3A_480 = arith.constant 0 : i32
        %scan3A_481 = arith.constant 64 : i32
        %scan3A_482 = arith.addi %scan3A_480, %scan3A_481 : i32
        %scan3A_483 = arith.constant 1 : i32
        %scan3A_484:2 = scf.for %scan3A_829 = %scan3A_480 to %scan3A_482 step %scan3A_483 iter_args(%scan3A_830 = %broadcast_in_dim3A_247, %scan3A_831 = %broadcast_in_dim3A_247) -> (vector<16xf32>, vector<16xf32>)  : i32 {
          %mul3A_832 = arith.constant 16 : i32
          %mul3A_833 = arith.muli %scan3A_829, %mul3A_832 : i32
          %get3A = arith.index_cast %mul3A_833 : i32 to index
          %get3A_834 = tpu.vector_load %arg7[%get3A] {strides = array<i32>} : memref<1024xf32, #tpu.memory_space<vmem>>, vector<16xf32>,
          %mul3A_835 = arith.mulf %get3A_834, %div3A_475 : vector<16xf32>
          %add3A_836 = arith.addf %mul3A_835, %sub3A_479 : vector<16xf32>
          %max3A_837 = arith.constant 5.000000e-01 : f32
          %max3A_838 = vector.broadcast %max3A_837 : f32 to vector<16xf32>
          %max3A_839 = arith.maximumf %add3A_836, %max3A_838 : vector<16xf32>
          %min3A = arith.constant 6.500000e+00 : f32
          %min3A_840 = vector.broadcast %min3A : f32 to vector<16xf32>
          %min3A_841 = arith.minimumf %max3A_839, %min3A_840 : vector<16xf32>
          %convert_element_type3A_842 = arith.fptosi %min3A_841 : vector<16xf32> to vector<16xi32>
          %mul3A_843 = arith.constant 8 : i32
          %mul3A_844 = arith.muli %scan3A_829, %mul3A_843 : i32
          %add3A_845 = arith.constant 3 : i32
          %add3A_846 = arith.addi %mul3A_844, %add3A_845 : i32
          %broadcast_in_dim3A_847 = vector.broadcast %add3A_846 : i32 to vector<16xi32>
          %scatter3A = arith.constant 0 : i32
          %scatter3A_848 = arith.constant 0 : i32
          %scatter3A_849 = tpu.memref_slice %run_scoped3A_10[%rem3A_246, %scatter3A, %scatter3A_848] : memref<2x16x512xi32, #tpu.memory_space<vmem>> -> memref<1x16x512xi32, #tpu.memory_space<vmem>>
          %scatter3A_850 = tpu.memref_squeeze %scatter3A_849 : memref<1x16x512xi32, #tpu.memory_space<vmem>> -> memref<16x512xi32, #tpu.memory_space<vmem>>
          tpu.vector_store_idx %scatter3A_850[%iota3A, %broadcast_in_dim3A_847], %convert_element_type3A_842 : memref<16x512xi32, #tpu.memory_space<vmem>>[vector<16xi32>, vector<16xi32>], vector<16xi32>,
          %gather3A = tpu.vector_load_idx %arg6[%convert_element_type3A_842] : memref<16xf32, #tpu.memory_space<vmem>>[vector<16xi32>], vector<16xf32>,
          %mul3A_851 = arith.mulf %gather3A, %add3A_472 : vector<16xf32>
          %add3A_852 = arith.addf %mul3A_851, %mul3A_429 : vector<16xf32>
          %sub3A_853 = arith.subf %get3A_834, %add3A_852 : vector<16xf32>
          %mul3A_854 = arith.constant 16 : i32
          %mul3A_855 = arith.muli %scan3A_829, %mul3A_854 : i32
          %swap3A = arith.index_cast %mul3A_855 : i32 to index
          %swap3A_856 = tpu.vector_load %arg7[%swap3A] {strides = array<i32>} : memref<1024xf32, #tpu.memory_space<vmem>>, vector<16xf32>,
          tpu.vector_store %arg7[%swap3A], %sub3A_853 {strides = array<i32>} : memref<1024xf32, #tpu.memory_space<vmem>>, vector<16xf32>,
          %add3A_857 = arith.addf %scan3A_830, %sub3A_853 : vector<16xf32>
          %mul3A_858 = arith.mulf %sub3A_853, %sub3A_853 : vector<16xf32>
          %add3A_859 = arith.addf %scan3A_831, %mul3A_858 : vector<16xf32>
          scf.yield %add3A_857, %add3A_859 : vector<16xf32>, vector<16xf32>
        }
        %scan3A_485 = arith.constant 64 : i32
        %mul3A_486 = arith.constant 1.562500e-02 : f32
        %mul3A_487 = vector.broadcast %mul3A_486 : f32 to vector<16xf32>
        %mul3A_488 = arith.mulf %scan3A_484#0, %mul3A_487 : vector<16xf32>
        %mul3A_489 = arith.mulf %scan3A_484#0, %mul3A_488 : vector<16xf32>
        %sub3A_490 = arith.subf %scan3A_484#1, %mul3A_489 : vector<16xf32>
        %mul3A_491 = arith.constant 0.0158730168 : f32
        %mul3A_492 = vector.broadcast %mul3A_491 : f32 to vector<16xf32>
        %mul3A_493 = arith.mulf %sub3A_490, %mul3A_492 : vector<16xf32>
        %max3A_494 = arith.constant 1.000000e-30 : f32
        %max3A_495 = vector.broadcast %max3A_494 : f32 to vector<16xf32>
        %max3A_496 = arith.maximumf %mul3A_493, %max3A_495 : vector<16xf32>
        %bitcast3A_497 = vector.bitcast %max3A_496 : vector<16xf32> to vector<16xi32>
        %shift_right_arithmetic3A_498 = arith.constant 1 : i32
        %shift_right_arithmetic3A_499 = vector.broadcast %shift_right_arithmetic3A_498 : i32 to vector<16xi32>
        %shift_right_arithmetic3A_500 = arith.shrsi %bitcast3A_497, %shift_right_arithmetic3A_499 : vector<16xi32>
        %sub3A_501 = arith.constant 1597463007 : i32
        %sub3A_502 = vector.broadcast %sub3A_501 : i32 to vector<16xi32>
        %sub3A_503 = arith.subi %sub3A_502, %shift_right_arithmetic3A_500 : vector<16xi32>
        %bitcast3A_504 = vector.bitcast %sub3A_503 : vector<16xi32> to vector<16xf32>
        %mul3A_505 = arith.constant 5.000000e-01 : f32
        %mul3A_506 = vector.broadcast %mul3A_505 : f32 to vector<16xf32>
        %mul3A_507 = arith.mulf %mul3A_506, %max3A_496 : vector<16xf32>
        %mul3A_508 = arith.mulf %mul3A_507, %bitcast3A_504 : vector<16xf32>
        %mul3A_509 = arith.mulf %mul3A_508, %bitcast3A_504 : vector<16xf32>
        %sub3A_510 = arith.constant 1.500000e+00 : f32
        %sub3A_511 = vector.broadcast %sub3A_510 : f32 to vector<16xf32>
        %sub3A_512 = arith.subf %sub3A_511, %mul3A_509 : vector<16xf32>
        %mul3A_513 = arith.mulf %bitcast3A_504, %sub3A_512 : vector<16xf32>
        %mul3A_514 = arith.constant 5.000000e-01 : f32
        %mul3A_515 = vector.broadcast %mul3A_514 : f32 to vector<16xf32>
        %mul3A_516 = arith.mulf %mul3A_515, %max3A_496 : vector<16xf32>
        %mul3A_517 = arith.mulf %mul3A_516, %mul3A_513 : vector<16xf32>
        %mul3A_518 = arith.mulf %mul3A_517, %mul3A_513 : vector<16xf32>
        %sub3A_519 = arith.constant 1.500000e+00 : f32
        %sub3A_520 = vector.broadcast %sub3A_519 : f32 to vector<16xf32>
        %sub3A_521 = arith.subf %sub3A_520, %mul3A_518 : vector<16xf32>
        %mul3A_522 = arith.mulf %mul3A_513, %sub3A_521 : vector<16xf32>
        %mul3A_523 = arith.mulf %max3A_496, %mul3A_522 : vector<16xf32>
        %div3A_524 = arith.divf %max3A_496, %mul3A_523 : vector<16xf32>
        %add3A_525 = arith.addf %mul3A_523, %div3A_524 : vector<16xf32>
        %mul3A_526 = arith.constant 5.000000e-01 : f32
        %mul3A_527 = vector.broadcast %mul3A_526 : f32 to vector<16xf32>
        %mul3A_528 = arith.mulf %mul3A_527, %add3A_525 : vector<16xf32>
        %add3A_529 = arith.constant 9.99999974E-6 : f32
        %add3A_530 = vector.broadcast %add3A_529 : f32 to vector<16xf32>
        %add3A_531 = arith.addf %mul3A_528, %add3A_530 : vector<16xf32>
        %div3A_532 = arith.constant 3.000000e+00 : f32
        %div3A_533 = vector.broadcast %div3A_532 : f32 to vector<16xf32>
        %div3A_534 = arith.divf %div3A_533, %add3A_531 : vector<16xf32>
        %mul3A_535 = arith.mulf %mul3A_488, %div3A_534 : vector<16xf32>
        %sub3A_536 = arith.constant 3.500000e+00 : f32
        %sub3A_537 = vector.broadcast %sub3A_536 : f32 to vector<16xf32>
        %sub3A_538 = arith.subf %sub3A_537, %mul3A_535 : vector<16xf32>
        %scan3A_539 = arith.constant 0 : i32
        %scan3A_540 = arith.constant 64 : i32
        %scan3A_541 = arith.addi %scan3A_539, %scan3A_540 : i32
        %scan3A_542 = arith.constant 1 : i32
        %scan3A_543:2 = scf.for %scan3A_829 = %scan3A_539 to %scan3A_541 step %scan3A_542 iter_args(%scan3A_830 = %broadcast_in_dim3A_247, %scan3A_831 = %broadcast_in_dim3A_247) -> (vector<16xf32>, vector<16xf32>)  : i32 {
          %mul3A_832 = arith.constant 16 : i32
          %mul3A_833 = arith.muli %scan3A_829, %mul3A_832 : i32
          %get3A = arith.index_cast %mul3A_833 : i32 to index
          %get3A_834 = tpu.vector_load %arg7[%get3A] {strides = array<i32>} : memref<1024xf32, #tpu.memory_space<vmem>>, vector<16xf32>,
          %mul3A_835 = arith.mulf %get3A_834, %div3A_534 : vector<16xf32>
          %add3A_836 = arith.addf %mul3A_835, %sub3A_538 : vector<16xf32>
          %max3A_837 = arith.constant 5.000000e-01 : f32
          %max3A_838 = vector.broadcast %max3A_837 : f32 to vector<16xf32>
          %max3A_839 = arith.maximumf %add3A_836, %max3A_838 : vector<16xf32>
          %min3A = arith.constant 6.500000e+00 : f32
          %min3A_840 = vector.broadcast %min3A : f32 to vector<16xf32>
          %min3A_841 = arith.minimumf %max3A_839, %min3A_840 : vector<16xf32>
          %convert_element_type3A_842 = arith.fptosi %min3A_841 : vector<16xf32> to vector<16xi32>
          %mul3A_843 = arith.constant 8 : i32
          %mul3A_844 = arith.muli %scan3A_829, %mul3A_843 : i32
          %add3A_845 = arith.constant 4 : i32
          %add3A_846 = arith.addi %mul3A_844, %add3A_845 : i32
          %broadcast_in_dim3A_847 = vector.broadcast %add3A_846 : i32 to vector<16xi32>
          %scatter3A = arith.constant 0 : i32
          %scatter3A_848 = arith.constant 0 : i32
          %scatter3A_849 = tpu.memref_slice %run_scoped3A_10[%rem3A_246, %scatter3A, %scatter3A_848] : memref<2x16x512xi32, #tpu.memory_space<vmem>> -> memref<1x16x512xi32, #tpu.memory_space<vmem>>
          %scatter3A_850 = tpu.memref_squeeze %scatter3A_849 : memref<1x16x512xi32, #tpu.memory_space<vmem>> -> memref<16x512xi32, #tpu.memory_space<vmem>>
          tpu.vector_store_idx %scatter3A_850[%iota3A, %broadcast_in_dim3A_847], %convert_element_type3A_842 : memref<16x512xi32, #tpu.memory_space<vmem>>[vector<16xi32>, vector<16xi32>], vector<16xi32>,
          %gather3A = tpu.vector_load_idx %arg6[%convert_element_type3A_842] : memref<16xf32, #tpu.memory_space<vmem>>[vector<16xi32>], vector<16xf32>,
          %mul3A_851 = arith.mulf %gather3A, %add3A_531 : vector<16xf32>
          %add3A_852 = arith.addf %mul3A_851, %mul3A_488 : vector<16xf32>
          %sub3A_853 = arith.subf %get3A_834, %add3A_852 : vector<16xf32>
          %mul3A_854 = arith.constant 16 : i32
          %mul3A_855 = arith.muli %scan3A_829, %mul3A_854 : i32
          %swap3A = arith.index_cast %mul3A_855 : i32 to index
          %swap3A_856 = tpu.vector_load %arg7[%swap3A] {strides = array<i32>} : memref<1024xf32, #tpu.memory_space<vmem>>, vector<16xf32>,
          tpu.vector_store %arg7[%swap3A], %sub3A_853 {strides = array<i32>} : memref<1024xf32, #tpu.memory_space<vmem>>, vector<16xf32>,
          %add3A_857 = arith.addf %scan3A_830, %sub3A_853 : vector<16xf32>
          %mul3A_858 = arith.mulf %sub3A_853, %sub3A_853 : vector<16xf32>
          %add3A_859 = arith.addf %scan3A_831, %mul3A_858 : vector<16xf32>
          scf.yield %add3A_857, %add3A_859 : vector<16xf32>, vector<16xf32>
        }
        %scan3A_544 = arith.constant 64 : i32
        %mul3A_545 = arith.constant 1.562500e-02 : f32
        %mul3A_546 = vector.broadcast %mul3A_545 : f32 to vector<16xf32>
        %mul3A_547 = arith.mulf %scan3A_543#0, %mul3A_546 : vector<16xf32>
        %mul3A_548 = arith.mulf %scan3A_543#0, %mul3A_547 : vector<16xf32>
        %sub3A_549 = arith.subf %scan3A_543#1, %mul3A_548 : vector<16xf32>
        %mul3A_550 = arith.constant 0.0158730168 : f32
        %mul3A_551 = vector.broadcast %mul3A_550 : f32 to vector<16xf32>
        %mul3A_552 = arith.mulf %sub3A_549, %mul3A_551 : vector<16xf32>
        %max3A_553 = arith.constant 1.000000e-30 : f32
        %max3A_554 = vector.broadcast %max3A_553 : f32 to vector<16xf32>
        %max3A_555 = arith.maximumf %mul3A_552, %max3A_554 : vector<16xf32>
        %bitcast3A_556 = vector.bitcast %max3A_555 : vector<16xf32> to vector<16xi32>
        %shift_right_arithmetic3A_557 = arith.constant 1 : i32
        %shift_right_arithmetic3A_558 = vector.broadcast %shift_right_arithmetic3A_557 : i32 to vector<16xi32>
        %shift_right_arithmetic3A_559 = arith.shrsi %bitcast3A_556, %shift_right_arithmetic3A_558 : vector<16xi32>
        %sub3A_560 = arith.constant 1597463007 : i32
        %sub3A_561 = vector.broadcast %sub3A_560 : i32 to vector<16xi32>
        %sub3A_562 = arith.subi %sub3A_561, %shift_right_arithmetic3A_559 : vector<16xi32>
        %bitcast3A_563 = vector.bitcast %sub3A_562 : vector<16xi32> to vector<16xf32>
        %mul3A_564 = arith.constant 5.000000e-01 : f32
        %mul3A_565 = vector.broadcast %mul3A_564 : f32 to vector<16xf32>
        %mul3A_566 = arith.mulf %mul3A_565, %max3A_555 : vector<16xf32>
        %mul3A_567 = arith.mulf %mul3A_566, %bitcast3A_563 : vector<16xf32>
        %mul3A_568 = arith.mulf %mul3A_567, %bitcast3A_563 : vector<16xf32>
        %sub3A_569 = arith.constant 1.500000e+00 : f32
        %sub3A_570 = vector.broadcast %sub3A_569 : f32 to vector<16xf32>
        %sub3A_571 = arith.subf %sub3A_570, %mul3A_568 : vector<16xf32>
        %mul3A_572 = arith.mulf %bitcast3A_563, %sub3A_571 : vector<16xf32>
        %mul3A_573 = arith.constant 5.000000e-01 : f32
        %mul3A_574 = vector.broadcast %mul3A_573 : f32 to vector<16xf32>
        %mul3A_575 = arith.mulf %mul3A_574, %max3A_555 : vector<16xf32>
        %mul3A_576 = arith.mulf %mul3A_575, %mul3A_572 : vector<16xf32>
        %mul3A_577 = arith.mulf %mul3A_576, %mul3A_572 : vector<16xf32>
        %sub3A_578 = arith.constant 1.500000e+00 : f32
        %sub3A_579 = vector.broadcast %sub3A_578 : f32 to vector<16xf32>
        %sub3A_580 = arith.subf %sub3A_579, %mul3A_577 : vector<16xf32>
        %mul3A_581 = arith.mulf %mul3A_572, %sub3A_580 : vector<16xf32>
        %mul3A_582 = arith.mulf %max3A_555, %mul3A_581 : vector<16xf32>
        %div3A_583 = arith.divf %max3A_555, %mul3A_582 : vector<16xf32>
        %add3A_584 = arith.addf %mul3A_582, %div3A_583 : vector<16xf32>
        %mul3A_585 = arith.constant 5.000000e-01 : f32
        %mul3A_586 = vector.broadcast %mul3A_585 : f32 to vector<16xf32>
        %mul3A_587 = arith.mulf %mul3A_586, %add3A_584 : vector<16xf32>
        %add3A_588 = arith.constant 9.99999974E-6 : f32
        %add3A_589 = vector.broadcast %add3A_588 : f32 to vector<16xf32>
        %add3A_590 = arith.addf %mul3A_587, %add3A_589 : vector<16xf32>
        %div3A_591 = arith.constant 3.000000e+00 : f32
        %div3A_592 = vector.broadcast %div3A_591 : f32 to vector<16xf32>
        %div3A_593 = arith.divf %div3A_592, %add3A_590 : vector<16xf32>
        %mul3A_594 = arith.mulf %mul3A_547, %div3A_593 : vector<16xf32>
        %sub3A_595 = arith.constant 3.500000e+00 : f32
        %sub3A_596 = vector.broadcast %sub3A_595 : f32 to vector<16xf32>
        %sub3A_597 = arith.subf %sub3A_596, %mul3A_594 : vector<16xf32>
        %scan3A_598 = arith.constant 0 : i32
        %scan3A_599 = arith.constant 64 : i32
        %scan3A_600 = arith.addi %scan3A_598, %scan3A_599 : i32
        %scan3A_601 = arith.constant 1 : i32
        %scan3A_602:2 = scf.for %scan3A_829 = %scan3A_598 to %scan3A_600 step %scan3A_601 iter_args(%scan3A_830 = %broadcast_in_dim3A_247, %scan3A_831 = %broadcast_in_dim3A_247) -> (vector<16xf32>, vector<16xf32>)  : i32 {
          %mul3A_832 = arith.constant 16 : i32
          %mul3A_833 = arith.muli %scan3A_829, %mul3A_832 : i32
          %get3A = arith.index_cast %mul3A_833 : i32 to index
          %get3A_834 = tpu.vector_load %arg7[%get3A] {strides = array<i32>} : memref<1024xf32, #tpu.memory_space<vmem>>, vector<16xf32>,
          %mul3A_835 = arith.mulf %get3A_834, %div3A_593 : vector<16xf32>
          %add3A_836 = arith.addf %mul3A_835, %sub3A_597 : vector<16xf32>
          %max3A_837 = arith.constant 5.000000e-01 : f32
          %max3A_838 = vector.broadcast %max3A_837 : f32 to vector<16xf32>
          %max3A_839 = arith.maximumf %add3A_836, %max3A_838 : vector<16xf32>
          %min3A = arith.constant 6.500000e+00 : f32
          %min3A_840 = vector.broadcast %min3A : f32 to vector<16xf32>
          %min3A_841 = arith.minimumf %max3A_839, %min3A_840 : vector<16xf32>
          %convert_element_type3A_842 = arith.fptosi %min3A_841 : vector<16xf32> to vector<16xi32>
          %mul3A_843 = arith.constant 8 : i32
          %mul3A_844 = arith.muli %scan3A_829, %mul3A_843 : i32
          %add3A_845 = arith.constant 5 : i32
          %add3A_846 = arith.addi %mul3A_844, %add3A_845 : i32
          %broadcast_in_dim3A_847 = vector.broadcast %add3A_846 : i32 to vector<16xi32>
          %scatter3A = arith.constant 0 : i32
          %scatter3A_848 = arith.constant 0 : i32
          %scatter3A_849 = tpu.memref_slice %run_scoped3A_10[%rem3A_246, %scatter3A, %scatter3A_848] : memref<2x16x512xi32, #tpu.memory_space<vmem>> -> memref<1x16x512xi32, #tpu.memory_space<vmem>>
          %scatter3A_850 = tpu.memref_squeeze %scatter3A_849 : memref<1x16x512xi32, #tpu.memory_space<vmem>> -> memref<16x512xi32, #tpu.memory_space<vmem>>
          tpu.vector_store_idx %scatter3A_850[%iota3A, %broadcast_in_dim3A_847], %convert_element_type3A_842 : memref<16x512xi32, #tpu.memory_space<vmem>>[vector<16xi32>, vector<16xi32>], vector<16xi32>,
          %gather3A = tpu.vector_load_idx %arg6[%convert_element_type3A_842] : memref<16xf32, #tpu.memory_space<vmem>>[vector<16xi32>], vector<16xf32>,
          %mul3A_851 = arith.mulf %gather3A, %add3A_590 : vector<16xf32>
          %add3A_852 = arith.addf %mul3A_851, %mul3A_547 : vector<16xf32>
          %sub3A_853 = arith.subf %get3A_834, %add3A_852 : vector<16xf32>
          %mul3A_854 = arith.constant 16 : i32
          %mul3A_855 = arith.muli %scan3A_829, %mul3A_854 : i32
          %swap3A = arith.index_cast %mul3A_855 : i32 to index
          %swap3A_856 = tpu.vector_load %arg7[%swap3A] {strides = array<i32>} : memref<1024xf32, #tpu.memory_space<vmem>>, vector<16xf32>,
          tpu.vector_store %arg7[%swap3A], %sub3A_853 {strides = array<i32>} : memref<1024xf32, #tpu.memory_space<vmem>>, vector<16xf32>,
          %add3A_857 = arith.addf %scan3A_830, %sub3A_853 : vector<16xf32>
          %mul3A_858 = arith.mulf %sub3A_853, %sub3A_853 : vector<16xf32>
          %add3A_859 = arith.addf %scan3A_831, %mul3A_858 : vector<16xf32>
          scf.yield %add3A_857, %add3A_859 : vector<16xf32>, vector<16xf32>
        }
        %scan3A_603 = arith.constant 64 : i32
        %mul3A_604 = arith.constant 1.562500e-02 : f32
        %mul3A_605 = vector.broadcast %mul3A_604 : f32 to vector<16xf32>
        %mul3A_606 = arith.mulf %scan3A_602#0, %mul3A_605 : vector<16xf32>
        %mul3A_607 = arith.mulf %scan3A_602#0, %mul3A_606 : vector<16xf32>
        %sub3A_608 = arith.subf %scan3A_602#1, %mul3A_607 : vector<16xf32>
        %mul3A_609 = arith.constant 0.0158730168 : f32
        %mul3A_610 = vector.broadcast %mul3A_609 : f32 to vector<16xf32>
        %mul3A_611 = arith.mulf %sub3A_608, %mul3A_610 : vector<16xf32>
        %max3A_612 = arith.constant 1.000000e-30 : f32
        %max3A_613 = vector.broadcast %max3A_612 : f32 to vector<16xf32>
        %max3A_614 = arith.maximumf %mul3A_611, %max3A_613 : vector<16xf32>
        %bitcast3A_615 = vector.bitcast %max3A_614 : vector<16xf32> to vector<16xi32>
        %shift_right_arithmetic3A_616 = arith.constant 1 : i32
        %shift_right_arithmetic3A_617 = vector.broadcast %shift_right_arithmetic3A_616 : i32 to vector<16xi32>
        %shift_right_arithmetic3A_618 = arith.shrsi %bitcast3A_615, %shift_right_arithmetic3A_617 : vector<16xi32>
        %sub3A_619 = arith.constant 1597463007 : i32
        %sub3A_620 = vector.broadcast %sub3A_619 : i32 to vector<16xi32>
        %sub3A_621 = arith.subi %sub3A_620, %shift_right_arithmetic3A_618 : vector<16xi32>
        %bitcast3A_622 = vector.bitcast %sub3A_621 : vector<16xi32> to vector<16xf32>
        %mul3A_623 = arith.constant 5.000000e-01 : f32
        %mul3A_624 = vector.broadcast %mul3A_623 : f32 to vector<16xf32>
        %mul3A_625 = arith.mulf %mul3A_624, %max3A_614 : vector<16xf32>
        %mul3A_626 = arith.mulf %mul3A_625, %bitcast3A_622 : vector<16xf32>
        %mul3A_627 = arith.mulf %mul3A_626, %bitcast3A_622 : vector<16xf32>
        %sub3A_628 = arith.constant 1.500000e+00 : f32
        %sub3A_629 = vector.broadcast %sub3A_628 : f32 to vector<16xf32>
        %sub3A_630 = arith.subf %sub3A_629, %mul3A_627 : vector<16xf32>
        %mul3A_631 = arith.mulf %bitcast3A_622, %sub3A_630 : vector<16xf32>
        %mul3A_632 = arith.constant 5.000000e-01 : f32
        %mul3A_633 = vector.broadcast %mul3A_632 : f32 to vector<16xf32>
        %mul3A_634 = arith.mulf %mul3A_633, %max3A_614 : vector<16xf32>
        %mul3A_635 = arith.mulf %mul3A_634, %mul3A_631 : vector<16xf32>
        %mul3A_636 = arith.mulf %mul3A_635, %mul3A_631 : vector<16xf32>
        %sub3A_637 = arith.constant 1.500000e+00 : f32
        %sub3A_638 = vector.broadcast %sub3A_637 : f32 to vector<16xf32>
        %sub3A_639 = arith.subf %sub3A_638, %mul3A_636 : vector<16xf32>
        %mul3A_640 = arith.mulf %mul3A_631, %sub3A_639 : vector<16xf32>
        %mul3A_641 = arith.mulf %max3A_614, %mul3A_640 : vector<16xf32>
        %div3A_642 = arith.divf %max3A_614, %mul3A_641 : vector<16xf32>
        %add3A_643 = arith.addf %mul3A_641, %div3A_642 : vector<16xf32>
        %mul3A_644 = arith.constant 5.000000e-01 : f32
        %mul3A_645 = vector.broadcast %mul3A_644 : f32 to vector<16xf32>
        %mul3A_646 = arith.mulf %mul3A_645, %add3A_643 : vector<16xf32>
        %add3A_647 = arith.constant 9.99999974E-6 : f32
        %add3A_648 = vector.broadcast %add3A_647 : f32 to vector<16xf32>
        %add3A_649 = arith.addf %mul3A_646, %add3A_648 : vector<16xf32>
        %div3A_650 = arith.constant 3.000000e+00 : f32
        %div3A_651 = vector.broadcast %div3A_650 : f32 to vector<16xf32>
        %div3A_652 = arith.divf %div3A_651, %add3A_649 : vector<16xf32>
        %mul3A_653 = arith.mulf %mul3A_606, %div3A_652 : vector<16xf32>
        %sub3A_654 = arith.constant 3.500000e+00 : f32
        %sub3A_655 = vector.broadcast %sub3A_654 : f32 to vector<16xf32>
        %sub3A_656 = arith.subf %sub3A_655, %mul3A_653 : vector<16xf32>
        %scan3A_657 = arith.constant 0 : i32
        %scan3A_658 = arith.constant 64 : i32
        %scan3A_659 = arith.addi %scan3A_657, %scan3A_658 : i32
        %scan3A_660 = arith.constant 1 : i32
        %scan3A_661:2 = scf.for %scan3A_829 = %scan3A_657 to %scan3A_659 step %scan3A_660 iter_args(%scan3A_830 = %broadcast_in_dim3A_247, %scan3A_831 = %broadcast_in_dim3A_247) -> (vector<16xf32>, vector<16xf32>)  : i32 {
          %mul3A_832 = arith.constant 16 : i32
          %mul3A_833 = arith.muli %scan3A_829, %mul3A_832 : i32
          %get3A = arith.index_cast %mul3A_833 : i32 to index
          %get3A_834 = tpu.vector_load %arg7[%get3A] {strides = array<i32>} : memref<1024xf32, #tpu.memory_space<vmem>>, vector<16xf32>,
          %mul3A_835 = arith.mulf %get3A_834, %div3A_652 : vector<16xf32>
          %add3A_836 = arith.addf %mul3A_835, %sub3A_656 : vector<16xf32>
          %max3A_837 = arith.constant 5.000000e-01 : f32
          %max3A_838 = vector.broadcast %max3A_837 : f32 to vector<16xf32>
          %max3A_839 = arith.maximumf %add3A_836, %max3A_838 : vector<16xf32>
          %min3A = arith.constant 6.500000e+00 : f32
          %min3A_840 = vector.broadcast %min3A : f32 to vector<16xf32>
          %min3A_841 = arith.minimumf %max3A_839, %min3A_840 : vector<16xf32>
          %convert_element_type3A_842 = arith.fptosi %min3A_841 : vector<16xf32> to vector<16xi32>
          %mul3A_843 = arith.constant 8 : i32
          %mul3A_844 = arith.muli %scan3A_829, %mul3A_843 : i32
          %add3A_845 = arith.constant 6 : i32
          %add3A_846 = arith.addi %mul3A_844, %add3A_845 : i32
          %broadcast_in_dim3A_847 = vector.broadcast %add3A_846 : i32 to vector<16xi32>
          %scatter3A = arith.constant 0 : i32
          %scatter3A_848 = arith.constant 0 : i32
          %scatter3A_849 = tpu.memref_slice %run_scoped3A_10[%rem3A_246, %scatter3A, %scatter3A_848] : memref<2x16x512xi32, #tpu.memory_space<vmem>> -> memref<1x16x512xi32, #tpu.memory_space<vmem>>
          %scatter3A_850 = tpu.memref_squeeze %scatter3A_849 : memref<1x16x512xi32, #tpu.memory_space<vmem>> -> memref<16x512xi32, #tpu.memory_space<vmem>>
          tpu.vector_store_idx %scatter3A_850[%iota3A, %broadcast_in_dim3A_847], %convert_element_type3A_842 : memref<16x512xi32, #tpu.memory_space<vmem>>[vector<16xi32>, vector<16xi32>], vector<16xi32>,
          %gather3A = tpu.vector_load_idx %arg6[%convert_element_type3A_842] : memref<16xf32, #tpu.memory_space<vmem>>[vector<16xi32>], vector<16xf32>,
          %mul3A_851 = arith.mulf %gather3A, %add3A_649 : vector<16xf32>
          %add3A_852 = arith.addf %mul3A_851, %mul3A_606 : vector<16xf32>
          %sub3A_853 = arith.subf %get3A_834, %add3A_852 : vector<16xf32>
          %mul3A_854 = arith.constant 16 : i32
          %mul3A_855 = arith.muli %scan3A_829, %mul3A_854 : i32
          %swap3A = arith.index_cast %mul3A_855 : i32 to index
          %swap3A_856 = tpu.vector_load %arg7[%swap3A] {strides = array<i32>} : memref<1024xf32, #tpu.memory_space<vmem>>, vector<16xf32>,
          tpu.vector_store %arg7[%swap3A], %sub3A_853 {strides = array<i32>} : memref<1024xf32, #tpu.memory_space<vmem>>, vector<16xf32>,
          %add3A_857 = arith.addf %scan3A_830, %sub3A_853 : vector<16xf32>
          %mul3A_858 = arith.mulf %sub3A_853, %sub3A_853 : vector<16xf32>
          %add3A_859 = arith.addf %scan3A_831, %mul3A_858 : vector<16xf32>
          scf.yield %add3A_857, %add3A_859 : vector<16xf32>, vector<16xf32>
        }
        %scan3A_662 = arith.constant 64 : i32
        %mul3A_663 = arith.constant 1.562500e-02 : f32
        %mul3A_664 = vector.broadcast %mul3A_663 : f32 to vector<16xf32>
        %mul3A_665 = arith.mulf %scan3A_661#0, %mul3A_664 : vector<16xf32>
        %mul3A_666 = arith.mulf %scan3A_661#0, %mul3A_665 : vector<16xf32>
        %sub3A_667 = arith.subf %scan3A_661#1, %mul3A_666 : vector<16xf32>
        %mul3A_668 = arith.constant 0.0158730168 : f32
        %mul3A_669 = vector.broadcast %mul3A_668 : f32 to vector<16xf32>
        %mul3A_670 = arith.mulf %sub3A_667, %mul3A_669 : vector<16xf32>
        %max3A_671 = arith.constant 1.000000e-30 : f32
        %max3A_672 = vector.broadcast %max3A_671 : f32 to vector<16xf32>
        %max3A_673 = arith.maximumf %mul3A_670, %max3A_672 : vector<16xf32>
        %bitcast3A_674 = vector.bitcast %max3A_673 : vector<16xf32> to vector<16xi32>
        %shift_right_arithmetic3A_675 = arith.constant 1 : i32
        %shift_right_arithmetic3A_676 = vector.broadcast %shift_right_arithmetic3A_675 : i32 to vector<16xi32>
        %shift_right_arithmetic3A_677 = arith.shrsi %bitcast3A_674, %shift_right_arithmetic3A_676 : vector<16xi32>
        %sub3A_678 = arith.constant 1597463007 : i32
        %sub3A_679 = vector.broadcast %sub3A_678 : i32 to vector<16xi32>
        %sub3A_680 = arith.subi %sub3A_679, %shift_right_arithmetic3A_677 : vector<16xi32>
        %bitcast3A_681 = vector.bitcast %sub3A_680 : vector<16xi32> to vector<16xf32>
        %mul3A_682 = arith.constant 5.000000e-01 : f32
        %mul3A_683 = vector.broadcast %mul3A_682 : f32 to vector<16xf32>
        %mul3A_684 = arith.mulf %mul3A_683, %max3A_673 : vector<16xf32>
        %mul3A_685 = arith.mulf %mul3A_684, %bitcast3A_681 : vector<16xf32>
        %mul3A_686 = arith.mulf %mul3A_685, %bitcast3A_681 : vector<16xf32>
        %sub3A_687 = arith.constant 1.500000e+00 : f32
        %sub3A_688 = vector.broadcast %sub3A_687 : f32 to vector<16xf32>
        %sub3A_689 = arith.subf %sub3A_688, %mul3A_686 : vector<16xf32>
        %mul3A_690 = arith.mulf %bitcast3A_681, %sub3A_689 : vector<16xf32>
        %mul3A_691 = arith.constant 5.000000e-01 : f32
        %mul3A_692 = vector.broadcast %mul3A_691 : f32 to vector<16xf32>
        %mul3A_693 = arith.mulf %mul3A_692, %max3A_673 : vector<16xf32>
        %mul3A_694 = arith.mulf %mul3A_693, %mul3A_690 : vector<16xf32>
        %mul3A_695 = arith.mulf %mul3A_694, %mul3A_690 : vector<16xf32>
        %sub3A_696 = arith.constant 1.500000e+00 : f32
        %sub3A_697 = vector.broadcast %sub3A_696 : f32 to vector<16xf32>
        %sub3A_698 = arith.subf %sub3A_697, %mul3A_695 : vector<16xf32>
        %mul3A_699 = arith.mulf %mul3A_690, %sub3A_698 : vector<16xf32>
        %mul3A_700 = arith.mulf %max3A_673, %mul3A_699 : vector<16xf32>
        %div3A_701 = arith.divf %max3A_673, %mul3A_700 : vector<16xf32>
        %add3A_702 = arith.addf %mul3A_700, %div3A_701 : vector<16xf32>
        %mul3A_703 = arith.constant 5.000000e-01 : f32
        %mul3A_704 = vector.broadcast %mul3A_703 : f32 to vector<16xf32>
        %mul3A_705 = arith.mulf %mul3A_704, %add3A_702 : vector<16xf32>
        %add3A_706 = arith.constant 9.99999974E-6 : f32
        %add3A_707 = vector.broadcast %add3A_706 : f32 to vector<16xf32>
        %add3A_708 = arith.addf %mul3A_705, %add3A_707 : vector<16xf32>
        %div3A_709 = arith.constant 3.000000e+00 : f32
        %div3A_710 = vector.broadcast %div3A_709 : f32 to vector<16xf32>
        %div3A_711 = arith.divf %div3A_710, %add3A_708 : vector<16xf32>
        %mul3A_712 = arith.mulf %mul3A_665, %div3A_711 : vector<16xf32>
        %sub3A_713 = arith.constant 3.500000e+00 : f32
        %sub3A_714 = vector.broadcast %sub3A_713 : f32 to vector<16xf32>
        %sub3A_715 = arith.subf %sub3A_714, %mul3A_712 : vector<16xf32>
        %scan3A_716 = arith.constant 0 : i32
        %scan3A_717 = arith.constant 64 : i32
        %scan3A_718 = arith.addi %scan3A_716, %scan3A_717 : i32
        %scan3A_719 = arith.constant 1 : i32
        %scan3A_720:2 = scf.for %scan3A_829 = %scan3A_716 to %scan3A_718 step %scan3A_719 iter_args(%scan3A_830 = %broadcast_in_dim3A_247, %scan3A_831 = %broadcast_in_dim3A_247) -> (vector<16xf32>, vector<16xf32>)  : i32 {
          %mul3A_832 = arith.constant 16 : i32
          %mul3A_833 = arith.muli %scan3A_829, %mul3A_832 : i32
          %get3A = arith.index_cast %mul3A_833 : i32 to index
          %get3A_834 = tpu.vector_load %arg7[%get3A] {strides = array<i32>} : memref<1024xf32, #tpu.memory_space<vmem>>, vector<16xf32>,
          %mul3A_835 = arith.mulf %get3A_834, %div3A_711 : vector<16xf32>
          %add3A_836 = arith.addf %mul3A_835, %sub3A_715 : vector<16xf32>
          %max3A_837 = arith.constant 5.000000e-01 : f32
          %max3A_838 = vector.broadcast %max3A_837 : f32 to vector<16xf32>
          %max3A_839 = arith.maximumf %add3A_836, %max3A_838 : vector<16xf32>
          %min3A = arith.constant 6.500000e+00 : f32
          %min3A_840 = vector.broadcast %min3A : f32 to vector<16xf32>
          %min3A_841 = arith.minimumf %max3A_839, %min3A_840 : vector<16xf32>
          %convert_element_type3A_842 = arith.fptosi %min3A_841 : vector<16xf32> to vector<16xi32>
          %mul3A_843 = arith.constant 8 : i32
          %mul3A_844 = arith.muli %scan3A_829, %mul3A_843 : i32
          %add3A_845 = arith.constant 7 : i32
          %add3A_846 = arith.addi %mul3A_844, %add3A_845 : i32
          %broadcast_in_dim3A_847 = vector.broadcast %add3A_846 : i32 to vector<16xi32>
          %scatter3A = arith.constant 0 : i32
          %scatter3A_848 = arith.constant 0 : i32
          %scatter3A_849 = tpu.memref_slice %run_scoped3A_10[%rem3A_246, %scatter3A, %scatter3A_848] : memref<2x16x512xi32, #tpu.memory_space<vmem>> -> memref<1x16x512xi32, #tpu.memory_space<vmem>>
          %scatter3A_850 = tpu.memref_squeeze %scatter3A_849 : memref<1x16x512xi32, #tpu.memory_space<vmem>> -> memref<16x512xi32, #tpu.memory_space<vmem>>
          tpu.vector_store_idx %scatter3A_850[%iota3A, %broadcast_in_dim3A_847], %convert_element_type3A_842 : memref<16x512xi32, #tpu.memory_space<vmem>>[vector<16xi32>, vector<16xi32>], vector<16xi32>,
          %gather3A = tpu.vector_load_idx %arg6[%convert_element_type3A_842] : memref<16xf32, #tpu.memory_space<vmem>>[vector<16xi32>], vector<16xf32>,
          %mul3A_851 = arith.mulf %gather3A, %add3A_708 : vector<16xf32>
          %add3A_852 = arith.addf %mul3A_851, %mul3A_665 : vector<16xf32>
          %sub3A_853 = arith.subf %get3A_834, %add3A_852 : vector<16xf32>
          %mul3A_854 = arith.constant 16 : i32
          %mul3A_855 = arith.muli %scan3A_829, %mul3A_854 : i32
          %swap3A = arith.index_cast %mul3A_855 : i32 to index
          %swap3A_856 = tpu.vector_load %arg7[%swap3A] {strides = array<i32>} : memref<1024xf32, #tpu.memory_space<vmem>>, vector<16xf32>,
          tpu.vector_store %arg7[%swap3A], %sub3A_853 {strides = array<i32>} : memref<1024xf32, #tpu.memory_space<vmem>>, vector<16xf32>,
          %add3A_857 = arith.addf %scan3A_830, %sub3A_853 : vector<16xf32>
          %mul3A_858 = arith.mulf %sub3A_853, %sub3A_853 : vector<16xf32>
          %add3A_859 = arith.addf %scan3A_831, %mul3A_858 : vector<16xf32>
          scf.yield %add3A_857, %add3A_859 : vector<16xf32>, vector<16xf32>
        }
        %scan3A_721 = arith.constant 64 : i32
        %scan3A_722 = arith.constant 0 : i32
        %scan3A_723 = arith.constant 0 : i32
        %scan3A_724 = arith.constant 64 : i32
        %scan3A_725 = arith.addi %scan3A_723, %scan3A_724 : i32
        %scan3A_726 = arith.constant 1 : i32
        scf.for %scan3A_829 = %scan3A_723 to %scan3A_725 step %scan3A_726  : i32 {
          %broadcast_in_dim3A_830 = vector.broadcast %scan3A_829 : i32 to vector<16xi32>
          %gather3A = arith.constant 0 : i32
          %gather3A_831 = arith.constant 0 : i32
          %gather3A_832 = tpu.memref_slice %run_scoped3A[%rem3A_242, %gather3A, %gather3A_831] : memref<2x16x64xf32, #tpu.memory_space<vmem>> -> memref<1x16x64xf32, #tpu.memory_space<vmem>>
          %gather3A_833 = tpu.memref_squeeze %gather3A_832 : memref<1x16x64xf32, #tpu.memory_space<vmem>> -> memref<16x64xf32, #tpu.memory_space<vmem>>
          %gather3A_834 = tpu.vector_load_idx %gather3A_833[%iota3A, %broadcast_in_dim3A_830] : memref<16x64xf32, #tpu.memory_space<vmem>>[vector<16xi32>, vector<16xi32>], vector<16xf32>,
          %mul3A_835 = arith.constant 16 : i32
          %mul3A_836 = arith.muli %scan3A_829, %mul3A_835 : i32
          %get3A = arith.index_cast %mul3A_836 : i32 to index
          %get3A_837 = tpu.vector_load %arg7[%get3A] {strides = array<i32>} : memref<1024xf32, #tpu.memory_space<vmem>>, vector<16xf32>,
          %sub3A_838 = arith.subf %gather3A_834, %get3A_837 : vector<16xf32>
          %scatter3A = arith.constant 0 : i32
          %scatter3A_839 = arith.constant 0 : i32
          %scatter3A_840 = tpu.memref_slice %run_scoped3A_8[%rem3A_244, %scatter3A, %scatter3A_839] : memref<2x16x64xf32, #tpu.memory_space<vmem>> -> memref<1x16x64xf32, #tpu.memory_space<vmem>>
          %scatter3A_841 = tpu.memref_squeeze %scatter3A_840 : memref<1x16x64xf32, #tpu.memory_space<vmem>> -> memref<16x64xf32, #tpu.memory_space<vmem>>
          tpu.vector_store_idx %scatter3A_841[%iota3A, %broadcast_in_dim3A_830], %sub3A_838 : memref<16x64xf32, #tpu.memory_space<vmem>>[vector<16xi32>, vector<16xi32>], vector<16xf32>,
        }
        %scan3A_727 = arith.constant 64 : i32
        "tpu.trace_stop"() : () -> ()
        %ne3A_728 = arith.cmpi ne, %add3A_155, %add3A_173 : i32
        %or3A_729 = arith.constant false
        %or3A_730 = arith.ori %or3A_729, %ne3A_728 : i1
        %or3A_731 = arith.constant false
        %or3A_732 = arith.ori %or3A_730, %or3A_731 : i1
        %or3A_733 = arith.ori %or3A_732, %eq3A_154 : i1
        %convert_element_type3A_734 = arith.extui %or3A_733 : i1 to i32
        %cond3A_735 = arith.constant 0 : i32
        %cond3A_736 = arith.cmpi ne, %convert_element_type3A_734, %cond3A_735 : i32
        scf.if %cond3A_736 {
        } else {
        }
        %and3A_737 = arith.constant false
        %and3A_738 = arith.andi %or3A_733, %and3A_737 : i1
        %ne3A_739 = arith.cmpi ne, %add3A_155, %add3A_173 : i32
        %or3A_740 = arith.constant false
        %or3A_741 = arith.ori %or3A_740, %ne3A_739 : i1
        %or3A_742 = arith.constant false
        %or3A_743 = arith.ori %or3A_741, %or3A_742 : i1
        %or3A_744 = arith.ori %or3A_743, %eq3A_154 : i1
        %convert_element_type3A_745 = arith.extui %or3A_744 : i1 to i32
        %cond3A_746 = arith.constant 0 : i32
        %cond3A_747 = arith.cmpi ne, %convert_element_type3A_745, %cond3A_746 : i32
        scf.if %cond3A_747 {
          "tpu.trace_start"() <{level = 10 : i32, message = "ep_copy_out"}> : () -> ()
          %rem3A_829 = arith.constant 2 : i32
          %rem3A_830 = arith.remui %scan3A_146, %rem3A_829 : i32
          %mul3A_831 = arith.constant 16 : i32
          %mul3A_832 = arith.muli %mul3A_831, %add3A_155 : i32
          %dma_start3A_833 = arith.constant 0 : i32
          %dma_start3A_834 = arith.constant 0 : i32
          %dma_start3A_835 = tpu.memref_slice %run_scoped3A_8[%rem3A_830, %dma_start3A_833, %dma_start3A_834] : memref<2x16x64xf32, #tpu.memory_space<vmem>> -> memref<1x16x64xf32, #tpu.memory_space<vmem>>
          %dma_start3A_836 = tpu.memref_squeeze %dma_start3A_835 : memref<1x16x64xf32, #tpu.memory_space<vmem>> -> memref<16x64xf32, #tpu.memory_space<vmem>>
          %dma_start3A_837 = arith.constant 0 : i32
          %dma_start3A_838 = tpu.memref_slice %arg4[%mul3A_832, %dma_start3A_837] : memref<32768x64xf32, #tpu.memory_space<hbm>> -> memref<16x64xf32, #tpu.memory_space<hbm>>
          %dma_start3A_839 = tpu.memref_slice %run_scoped3A_9[%rem3A_830] : memref<2x!tpu.dma_semaphore, #tpu.memory_space<semaphore_mem>> -> memref<1x!tpu.dma_semaphore, #tpu.memory_space<semaphore_mem>>
          %dma_start3A_840 = tpu.memref_squeeze %dma_start3A_839 : memref<1x!tpu.dma_semaphore, #tpu.memory_space<semaphore_mem>> -> memref<!tpu.dma_semaphore, #tpu.memory_space<semaphore_mem>>
          %dma_start3A_841 = arith.constant 0 : i32
          %dma_start3A_842 = tpu.memref_slice %arg4[%mul3A_832, %dma_start3A_841] : memref<32768x64xf32, #tpu.memory_space<hbm>> -> memref<16x64xf32, #tpu.memory_space<hbm>>
          %dma_start3A_843 = arith.constant 0 : i32
          %dma_start3A_844 = arith.constant 0 : i32
          %dma_start3A_845 = tpu.memref_slice %run_scoped3A_8[%rem3A_830, %dma_start3A_843, %dma_start3A_844] : memref<2x16x64xf32, #tpu.memory_space<vmem>> -> memref<1x16x64xf32, #tpu.memory_space<vmem>>
          %dma_start3A_846 = tpu.memref_squeeze %dma_start3A_845 : memref<1x16x64xf32, #tpu.memory_space<vmem>> -> memref<16x64xf32, #tpu.memory_space<vmem>>
          tpu.enqueue_dma source(%dma_start3A_846 : memref<16x64xf32, #tpu.memory_space<vmem>>) target(%dma_start3A_842 : memref<16x64xf32, #tpu.memory_space<hbm>>) target_semaphore(%dma_start3A_840 : memref<!tpu.dma_semaphore, #tpu.memory_space<semaphore_mem>>)
          "tpu.trace_stop"() : () -> ()
        } else {
        }
        %and3A_748 = arith.constant true
        %and3A_749 = arith.andi %or3A_744, %and3A_748 : i1
        %add3A_750 = arith.constant 1 : i32
        %add3A_751 = arith.addi %scan3A_146, %add3A_750 : i32
        %select_n3A_752 = arith.select %and3A_749, %add3A_751, %scan3A_146 : i32
        %ne3A_753 = arith.cmpi ne, %add3A_155, %add3A_173 : i32
        %or3A_754 = arith.constant false
        %or3A_755 = arith.ori %or3A_754, %ne3A_753 : i1
        %or3A_756 = arith.constant false
        %or3A_757 = arith.ori %or3A_755, %or3A_756 : i1
        %or3A_758 = arith.ori %or3A_757, %eq3A_154 : i1
        %convert_element_type3A_759 = arith.extui %or3A_758 : i1 to i32
        %cond3A_760 = arith.constant 0 : i32
        %cond3A_761 = arith.cmpi ne, %convert_element_type3A_759, %cond3A_760 : i32
        scf.if %cond3A_761 {
          "tpu.trace_start"() <{level = 10 : i32, message = "ep_copy_out"}> : () -> ()
          %rem3A_829 = arith.constant 2 : i32
          %rem3A_830 = arith.remui %scan3A_148, %rem3A_829 : i32
          %mul3A_831 = arith.constant 16 : i32
          %mul3A_832 = arith.muli %mul3A_831, %add3A_155 : i32
          %dma_start3A_833 = arith.constant 0 : i32
          %dma_start3A_834 = arith.constant 0 : i32
          %dma_start3A_835 = tpu.memref_slice %run_scoped3A_10[%rem3A_830, %dma_start3A_833, %dma_start3A_834] : memref<2x16x512xi32, #tpu.memory_space<vmem>> -> memref<1x16x512xi32, #tpu.memory_space<vmem>>
          %dma_start3A_836 = tpu.memref_squeeze %dma_start3A_835 : memref<1x16x512xi32, #tpu.memory_space<vmem>> -> memref<16x512xi32, #tpu.memory_space<vmem>>
          %dma_start3A_837 = arith.constant 0 : i32
          %dma_start3A_838 = tpu.memref_slice %arg5[%mul3A_832, %dma_start3A_837] : memref<32768x512xi32, #tpu.memory_space<hbm>> -> memref<16x512xi32, #tpu.memory_space<hbm>>
          %dma_start3A_839 = tpu.memref_slice %run_scoped3A_11[%rem3A_830] : memref<2x!tpu.dma_semaphore, #tpu.memory_space<semaphore_mem>> -> memref<1x!tpu.dma_semaphore, #tpu.memory_space<semaphore_mem>>
          %dma_start3A_840 = tpu.memref_squeeze %dma_start3A_839 : memref<1x!tpu.dma_semaphore, #tpu.memory_space<semaphore_mem>> -> memref<!tpu.dma_semaphore, #tpu.memory_space<semaphore_mem>>
          %dma_start3A_841 = arith.constant 0 : i32
          %dma_start3A_842 = tpu.memref_slice %arg5[%mul3A_832, %dma_start3A_841] : memref<32768x512xi32, #tpu.memory_space<hbm>> -> memref<16x512xi32, #tpu.memory_space<hbm>>
          %dma_start3A_843 = arith.constant 0 : i32
          %dma_start3A_844 = arith.constant 0 : i32
          %dma_start3A_845 = tpu.memref_slice %run_scoped3A_10[%rem3A_830, %dma_start3A_843, %dma_start3A_844] : memref<2x16x512xi32, #tpu.memory_space<vmem>> -> memref<1x16x512xi32, #tpu.memory_space<vmem>>
          %dma_start3A_846 = tpu.memref_squeeze %dma_start3A_845 : memref<1x16x512xi32, #tpu.memory_space<vmem>> -> memref<16x512xi32, #tpu.memory_space<vmem>>
          tpu.enqueue_dma source(%dma_start3A_846 : memref<16x512xi32, #tpu.memory_space<vmem>>) target(%dma_start3A_842 : memref<16x512xi32, #tpu.memory_space<hbm>>) target_semaphore(%dma_start3A_840 : memref<!tpu.dma_semaphore, #tpu.memory_space<semaphore_mem>>)
          "tpu.trace_stop"() : () -> ()
        } else {
        }
        %and3A_762 = arith.constant true
        %and3A_763 = arith.andi %or3A_758, %and3A_762 : i1
        %add3A_764 = arith.constant 1 : i32
        %add3A_765 = arith.addi %scan3A_148, %add3A_764 : i32
        %select_n3A_766 = arith.select %and3A_763, %add3A_765, %scan3A_148 : i32
        %ne3A_767 = arith.cmpi ne, %add3A_155, %add3A_164 : i32
        %or3A_768 = arith.constant false
        %or3A_769 = arith.ori %or3A_768, %ne3A_767 : i1
        %or3A_770 = arith.constant false
        %or3A_771 = arith.ori %or3A_769, %or3A_770 : i1
        %not3A_772 = arith.constant true
        %not3A_773 = arith.xori %eq3A_152, %not3A_772 : i1
        %and3A_774 = arith.andi %or3A_771, %not3A_773 : i1
        %convert_element_type3A_775 = arith.extui %and3A_774 : i1 to i32
        %cond3A_776 = arith.constant 0 : i32
        %cond3A_777 = arith.cmpi ne, %convert_element_type3A_775, %cond3A_776 : i32
        scf.if %cond3A_777 {
        } else {
        }
        %and3A_778 = arith.constant false
        %and3A_779 = arith.andi %and3A_774, %and3A_778 : i1
        %ne3A_780 = arith.cmpi ne, %add3A_155, %add3A_164 : i32
        %or3A_781 = arith.constant false
        %or3A_782 = arith.ori %or3A_781, %ne3A_780 : i1
        %or3A_783 = arith.constant false
        %or3A_784 = arith.ori %or3A_782, %or3A_783 : i1
        %not3A_785 = arith.constant true
        %not3A_786 = arith.xori %eq3A_152, %not3A_785 : i1
        %and3A_787 = arith.andi %or3A_784, %not3A_786 : i1
        %convert_element_type3A_788 = arith.extui %and3A_787 : i1 to i32
        %cond3A_789 = arith.constant 0 : i32
        %cond3A_790 = arith.cmpi ne, %convert_element_type3A_788, %cond3A_789 : i32
        scf.if %cond3A_790 {
          "tpu.trace_start"() <{level = 10 : i32, message = "ep_wait_out"}> : () -> ()
          %rem3A_829 = arith.constant 2 : i32
          %rem3A_830 = arith.remui %scan3A_147, %rem3A_829 : i32
          %mul3A_831 = arith.constant 16 : i32
          %mul3A_832 = arith.muli %mul3A_831, %add3A_164 : i32
          %dma_wait3A_833 = arith.constant 0 : i32
          %dma_wait3A_834 = arith.constant 0 : i32
          %dma_wait3A_835 = tpu.memref_slice %run_scoped3A_8[%rem3A_830, %dma_wait3A_833, %dma_wait3A_834] : memref<2x16x64xf32, #tpu.memory_space<vmem>> -> memref<1x16x64xf32, #tpu.memory_space<vmem>>
          %dma_wait3A_836 = tpu.memref_squeeze %dma_wait3A_835 : memref<1x16x64xf32, #tpu.memory_space<vmem>> -> memref<16x64xf32, #tpu.memory_space<vmem>>
          %dma_wait3A_837 = arith.constant 0 : i32
          %dma_wait3A_838 = tpu.memref_slice %arg4[%mul3A_832, %dma_wait3A_837] : memref<32768x64xf32, #tpu.memory_space<hbm>> -> memref<16x64xf32, #tpu.memory_space<hbm>>
          %dma_wait3A_839 = tpu.memref_slice %run_scoped3A_9[%rem3A_830] : memref<2x!tpu.dma_semaphore, #tpu.memory_space<semaphore_mem>> -> memref<1x!tpu.dma_semaphore, #tpu.memory_space<semaphore_mem>>
          %dma_wait3A_840 = tpu.memref_squeeze %dma_wait3A_839 : memref<1x!tpu.dma_semaphore, #tpu.memory_space<semaphore_mem>> -> memref<!tpu.dma_semaphore, #tpu.memory_space<semaphore_mem>>
          %dma_wait3A_841 = arith.constant 0 : i32
          %dma_wait3A_842 = tpu.memref_slice %arg4[%mul3A_832, %dma_wait3A_841] : memref<32768x64xf32, #tpu.memory_space<hbm>> -> memref<16x64xf32, #tpu.memory_space<hbm>>
          %dma_wait3A_843 = arith.constant 0 : i32
          %dma_wait3A_844 = arith.constant 0 : i32
          %dma_wait3A_845 = tpu.memref_slice %run_scoped3A_8[%rem3A_830, %dma_wait3A_843, %dma_wait3A_844] : memref<2x16x64xf32, #tpu.memory_space<vmem>> -> memref<1x16x64xf32, #tpu.memory_space<vmem>>
          %dma_wait3A_846 = tpu.memref_squeeze %dma_wait3A_845 : memref<1x16x64xf32, #tpu.memory_space<vmem>> -> memref<16x64xf32, #tpu.memory_space<vmem>>
          tpu.wait_dma2 semaphore(%dma_wait3A_840 : memref<!tpu.dma_semaphore, #tpu.memory_space<semaphore_mem>>) src(%dma_wait3A_846 : memref<16x64xf32, #tpu.memory_space<vmem>>) dst(%dma_wait3A_842 : memref<16x64xf32, #tpu.memory_space<hbm>>)
          "tpu.trace_stop"() : () -> ()
        } else {
        }
        %and3A_791 = arith.constant true
        %and3A_792 = arith.andi %and3A_787, %and3A_791 : i1
        %add3A_793 = arith.constant 1 : i32
        %add3A_794 = arith.addi %scan3A_147, %add3A_793 : i32
        %select_n3A_795 = arith.select %and3A_792, %add3A_794, %scan3A_147 : i32
        %ne3A_796 = arith.cmpi ne, %add3A_155, %add3A_164 : i32
        %or3A_797 = arith.constant false
        %or3A_798 = arith.ori %or3A_797, %ne3A_796 : i1
        %or3A_799 = arith.constant false
        %or3A_800 = arith.ori %or3A_798, %or3A_799 : i1
        %not3A_801 = arith.constant true
        %not3A_802 = arith.xori %eq3A_152, %not3A_801 : i1
        %and3A_803 = arith.andi %or3A_800, %not3A_802 : i1
        %convert_element_type3A_804 = arith.extui %and3A_803 : i1 to i32
        %cond3A_805 = arith.constant 0 : i32
        %cond3A_806 = arith.cmpi ne, %convert_element_type3A_804, %cond3A_805 : i32
        scf.if %cond3A_806 {
          "tpu.trace_start"() <{level = 10 : i32, message = "ep_wait_out"}> : () -> ()
          %rem3A_829 = arith.constant 2 : i32
          %rem3A_830 = arith.remui %scan3A_149, %rem3A_829 : i32
          %mul3A_831 = arith.constant 16 : i32
          %mul3A_832 = arith.muli %mul3A_831, %add3A_164 : i32
          %dma_wait3A_833 = arith.constant 0 : i32
          %dma_wait3A_834 = arith.constant 0 : i32
          %dma_wait3A_835 = tpu.memref_slice %run_scoped3A_10[%rem3A_830, %dma_wait3A_833, %dma_wait3A_834] : memref<2x16x512xi32, #tpu.memory_space<vmem>> -> memref<1x16x512xi32, #tpu.memory_space<vmem>>
          %dma_wait3A_836 = tpu.memref_squeeze %dma_wait3A_835 : memref<1x16x512xi32, #tpu.memory_space<vmem>> -> memref<16x512xi32, #tpu.memory_space<vmem>>
          %dma_wait3A_837 = arith.constant 0 : i32
          %dma_wait3A_838 = tpu.memref_slice %arg5[%mul3A_832, %dma_wait3A_837] : memref<32768x512xi32, #tpu.memory_space<hbm>> -> memref<16x512xi32, #tpu.memory_space<hbm>>
          %dma_wait3A_839 = tpu.memref_slice %run_scoped3A_11[%rem3A_830] : memref<2x!tpu.dma_semaphore, #tpu.memory_space<semaphore_mem>> -> memref<1x!tpu.dma_semaphore, #tpu.memory_space<semaphore_mem>>
          %dma_wait3A_840 = tpu.memref_squeeze %dma_wait3A_839 : memref<1x!tpu.dma_semaphore, #tpu.memory_space<semaphore_mem>> -> memref<!tpu.dma_semaphore, #tpu.memory_space<semaphore_mem>>
          %dma_wait3A_841 = arith.constant 0 : i32
          %dma_wait3A_842 = tpu.memref_slice %arg5[%mul3A_832, %dma_wait3A_841] : memref<32768x512xi32, #tpu.memory_space<hbm>> -> memref<16x512xi32, #tpu.memory_space<hbm>>
          %dma_wait3A_843 = arith.constant 0 : i32
          %dma_wait3A_844 = arith.constant 0 : i32
          %dma_wait3A_845 = tpu.memref_slice %run_scoped3A_10[%rem3A_830, %dma_wait3A_843, %dma_wait3A_844] : memref<2x16x512xi32, #tpu.memory_space<vmem>> -> memref<1x16x512xi32, #tpu.memory_space<vmem>>
          %dma_wait3A_846 = tpu.memref_squeeze %dma_wait3A_845 : memref<1x16x512xi32, #tpu.memory_space<vmem>> -> memref<16x512xi32, #tpu.memory_space<vmem>>
          tpu.wait_dma2 semaphore(%dma_wait3A_840 : memref<!tpu.dma_semaphore, #tpu.memory_space<semaphore_mem>>) src(%dma_wait3A_846 : memref<16x512xi32, #tpu.memory_space<vmem>>) dst(%dma_wait3A_842 : memref<16x512xi32, #tpu.memory_space<hbm>>)
          "tpu.trace_stop"() : () -> ()
        } else {
        }
        %and3A_807 = arith.constant true
        %and3A_808 = arith.andi %and3A_803, %and3A_807 : i1
        %add3A_809 = arith.constant 1 : i32
        %add3A_810 = arith.addi %scan3A_149, %add3A_809 : i32
        %select_n3A_811 = arith.select %and3A_808, %add3A_810, %scan3A_149 : i32
        %ne3A_812 = arith.cmpi ne, %add3A_155, %add3A_173 : i32
        %or3A_813 = arith.constant false
        %or3A_814 = arith.ori %or3A_813, %ne3A_812 : i1
        %or3A_815 = arith.constant false
        %or3A_816 = arith.ori %or3A_814, %or3A_815 : i1
        %or3A_817 = arith.ori %or3A_816, %eq3A_154 : i1
        %add3A_818 = arith.constant 1 : i32
        %add3A_819 = arith.addi %scan3A_145, %add3A_818 : i32
        %select_n3A_820 = arith.select %or3A_817, %add3A_819, %scan3A_145 : i32
        %add3A_821 = arith.constant 1 : i32
        %add3A_822 = arith.addi %scan3A_150, %add3A_821 : i32
        %select_n3A_823 = arith.constant true
        %select_n3A_824 = arith.select %select_n3A_823, %add3A_822, %scan3A_150 : i32
        %eq3A_825 = arith.constant 64 : i32
        %eq3A_826 = arith.cmpi eq, %select_n3A_824, %eq3A_825 : i32
        %select_n3A_827 = arith.constant 0 : i32
        %select_n3A_828 = arith.select %eq3A_826, %select_n3A_827, %select_n3A_824 : i32
        scf.yield %select_n3A_193, %select_n3A_820, %select_n3A_752, %select_n3A_795, %select_n3A_766, %select_n3A_811, %select_n3A_828 : i32, i32, i32, i32, i32, i32, i32
      }
      %scan3A_72 = arith.constant 64 : i32
      %sub3A = arith.constant 1 : i32
      %sub3A_73 = arith.subi %scan3A_71#6, %sub3A : i32
      %select_n3A_74 = arith.constant true
      %select_n3A_75 = arith.select %select_n3A_74, %sub3A_73, %scan3A_71#6 : i32
      %eq3A_76 = arith.constant -1 : i32
      %eq3A_77 = arith.cmpi eq, %select_n3A_75, %eq3A_76 : i32
      %select_n3A_78 = arith.constant 63 : i32
      %select_n3A_79 = arith.select %eq3A_77, %select_n3A_78, %select_n3A_75 : i32
      %add3A_80 = arith.addi %select_n3A_79, %mul3A_6 : i32
      %sub3A_81 = arith.constant 1 : i32
      %sub3A_82 = arith.subi %select_n3A_79, %sub3A_81 : i32
      %select_n3A_83 = arith.constant true
      %select_n3A_84 = arith.select %select_n3A_83, %sub3A_82, %select_n3A_79 : i32
      %eq3A_85 = arith.constant -1 : i32
      %eq3A_86 = arith.cmpi eq, %select_n3A_84, %eq3A_85 : i32
      %select_n3A_87 = arith.constant 63 : i32
      %select_n3A_88 = arith.select %eq3A_86, %select_n3A_87, %select_n3A_84 : i32
      %add3A_89 = arith.addi %select_n3A_88, %mul3A_6 : i32
      %add3A_90 = arith.constant 1 : i32
      %add3A_91 = arith.addi %select_n3A_79, %add3A_90 : i32
      %select_n3A_92 = arith.constant true
      %select_n3A_93 = arith.select %select_n3A_92, %add3A_91, %select_n3A_79 : i32
      %eq3A_94 = arith.constant 64 : i32
      %eq3A_95 = arith.cmpi eq, %select_n3A_93, %eq3A_94 : i32
      %select_n3A_96 = arith.constant 0 : i32
      %select_n3A_97 = arith.select %eq3A_95, %select_n3A_96, %select_n3A_93 : i32
      %add3A_98 = arith.addi %select_n3A_97, %mul3A_6 : i32
      %add3A_99 = arith.constant 1 : i32
      %add3A_100 = arith.addi %select_n3A_97, %add3A_99 : i32
      %select_n3A_101 = arith.constant true
      %select_n3A_102 = arith.select %select_n3A_101, %add3A_100, %select_n3A_97 : i32
      %eq3A_103 = arith.constant 64 : i32
      %eq3A_104 = arith.cmpi eq, %select_n3A_102, %eq3A_103 : i32
      %select_n3A_105 = arith.constant 0 : i32
      %select_n3A_106 = arith.select %eq3A_104, %select_n3A_105, %select_n3A_102 : i32
      %add3A_107 = arith.addi %select_n3A_106, %mul3A_6 : i32
      "tpu.trace_start"() <{level = 10 : i32, message = "ep_finalize"}> : () -> ()
      %rem3A_108 = arith.constant 2 : i32
      %rem3A_109 = arith.remui %scan3A_71#3, %rem3A_108 : i32
      %mul3A_110 = arith.constant 16 : i32
      %mul3A_111 = arith.muli %mul3A_110, %add3A_80 : i32
      %dma_wait3A = arith.constant 0 : i32
      %dma_wait3A_112 = arith.constant 0 : i32
      %dma_wait3A_113 = tpu.memref_slice %run_scoped3A_8[%rem3A_109, %dma_wait3A, %dma_wait3A_112] : memref<2x16x64xf32, #tpu.memory_space<vmem>> -> memref<1x16x64xf32, #tpu.memory_space<vmem>>
      %dma_wait3A_114 = tpu.memref_squeeze %dma_wait3A_113 : memref<1x16x64xf32, #tpu.memory_space<vmem>> -> memref<16x64xf32, #tpu.memory_space<vmem>>
      %dma_wait3A_115 = arith.constant 0 : i32
      %dma_wait3A_116 = tpu.memref_slice %arg4[%mul3A_111, %dma_wait3A_115] : memref<32768x64xf32, #tpu.memory_space<hbm>> -> memref<16x64xf32, #tpu.memory_space<hbm>>
      %dma_wait3A_117 = tpu.memref_slice %run_scoped3A_9[%rem3A_109] : memref<2x!tpu.dma_semaphore, #tpu.memory_space<semaphore_mem>> -> memref<1x!tpu.dma_semaphore, #tpu.memory_space<semaphore_mem>>
      %dma_wait3A_118 = tpu.memref_squeeze %dma_wait3A_117 : memref<1x!tpu.dma_semaphore, #tpu.memory_space<semaphore_mem>> -> memref<!tpu.dma_semaphore, #tpu.memory_space<semaphore_mem>>
      %dma_wait3A_119 = arith.constant 0 : i32
      %dma_wait3A_120 = tpu.memref_slice %arg4[%mul3A_111, %dma_wait3A_119] : memref<32768x64xf32, #tpu.memory_space<hbm>> -> memref<16x64xf32, #tpu.memory_space<hbm>>
      %dma_wait3A_121 = arith.constant 0 : i32
      %dma_wait3A_122 = arith.constant 0 : i32
      %dma_wait3A_123 = tpu.memref_slice %run_scoped3A_8[%rem3A_109, %dma_wait3A_121, %dma_wait3A_122] : memref<2x16x64xf32, #tpu.memory_space<vmem>> -> memref<1x16x64xf32, #tpu.memory_space<vmem>>
      %dma_wait3A_124 = tpu.memref_squeeze %dma_wait3A_123 : memref<1x16x64xf32, #tpu.memory_space<vmem>> -> memref<16x64xf32, #tpu.memory_space<vmem>>
      tpu.wait_dma2 semaphore(%dma_wait3A_118 : memref<!tpu.dma_semaphore, #tpu.memory_space<semaphore_mem>>) src(%dma_wait3A_124 : memref<16x64xf32, #tpu.memory_space<vmem>>) dst(%dma_wait3A_120 : memref<16x64xf32, #tpu.memory_space<hbm>>)
      %rem3A_125 = arith.constant 2 : i32
      %rem3A_126 = arith.remui %scan3A_71#5, %rem3A_125 : i32
      %mul3A_127 = arith.constant 16 : i32
      %mul3A_128 = arith.muli %mul3A_127, %add3A_80 : i32
      %dma_wait3A_129 = arith.constant 0 : i32
      %dma_wait3A_130 = arith.constant 0 : i32
      %dma_wait3A_131 = tpu.memref_slice %run_scoped3A_10[%rem3A_126, %dma_wait3A_129, %dma_wait3A_130] : memref<2x16x512xi32, #tpu.memory_space<vmem>> -> memref<1x16x512xi32, #tpu.memory_space<vmem>>
      %dma_wait3A_132 = tpu.memref_squeeze %dma_wait3A_131 : memref<1x16x512xi32, #tpu.memory_space<vmem>> -> memref<16x512xi32, #tpu.memory_space<vmem>>
      %dma_wait3A_133 = arith.constant 0 : i32
      %dma_wait3A_134 = tpu.memref_slice %arg5[%mul3A_128, %dma_wait3A_133] : memref<32768x512xi32, #tpu.memory_space<hbm>> -> memref<16x512xi32, #tpu.memory_space<hbm>>
      %dma_wait3A_135 = tpu.memref_slice %run_scoped3A_11[%rem3A_126] : memref<2x!tpu.dma_semaphore, #tpu.memory_space<semaphore_mem>> -> memref<1x!tpu.dma_semaphore, #tpu.memory_space<semaphore_mem>>
      %dma_wait3A_136 = tpu.memref_squeeze %dma_wait3A_135 : memref<1x!tpu.dma_semaphore, #tpu.memory_space<semaphore_mem>> -> memref<!tpu.dma_semaphore, #tpu.memory_space<semaphore_mem>>
      %dma_wait3A_137 = arith.constant 0 : i32
      %dma_wait3A_138 = tpu.memref_slice %arg5[%mul3A_128, %dma_wait3A_137] : memref<32768x512xi32, #tpu.memory_space<hbm>> -> memref<16x512xi32, #tpu.memory_space<hbm>>
      %dma_wait3A_139 = arith.constant 0 : i32
      %dma_wait3A_140 = arith.constant 0 : i32
      %dma_wait3A_141 = tpu.memref_slice %run_scoped3A_10[%rem3A_126, %dma_wait3A_139, %dma_wait3A_140] : memref<2x16x512xi32, #tpu.memory_space<vmem>> -> memref<1x16x512xi32, #tpu.memory_space<vmem>>
      %dma_wait3A_142 = tpu.memref_squeeze %dma_wait3A_141 : memref<1x16x512xi32, #tpu.memory_space<vmem>> -> memref<16x512xi32, #tpu.memory_space<vmem>>
      tpu.wait_dma2 semaphore(%dma_wait3A_136 : memref<!tpu.dma_semaphore, #tpu.memory_space<semaphore_mem>>) src(%dma_wait3A_142 : memref<16x512xi32, #tpu.memory_space<vmem>>) dst(%dma_wait3A_138 : memref<16x512xi32, #tpu.memory_space<hbm>>)
      "tpu.trace_stop"() : () -> ()
      tpu.yield
    }) : () -> ()
    return
  }
}

</mosaic_0001>

<sc_bundles>
// kernel: kernel.3.cloned.1.call-start
scs
__scs_entry_jumppad:
0x0: {  	(pc) =	sbr.rel $0x88, $3  }
0x1: {  	(tag) =	ssettag $0x0;
	lr =	simm.s32 $0x1  }
0x2: {  	[smem:$0x3FA0] =	sst lr;
	_ =	strace $0xD0000000  }
0x3: {  	_ = 	snop  }
0x4: {  	_ = 	snop  }
0x5: {  	_ = 	snop  }
0x6: {  	_ = 	snop  }
0x7: {  	_ = 	snop  }
__scs_overlays_trampoline_lowered:
0x8: {  	[smem:$0x3FAF] =	sst s0  }
0x9: {  	[smem:$0x3FB0] =	sst s1  }
0xa: {  	[smem:$0x3FB1] =	sst s2  }
0xb: {  	[smem:$0x3FB2] =	sst s3  }
0xc: {  	[smem:$0x3FB3] =	sst s4  }
0xd: {  	[smem:$0x3FB4] =	sst s5  }
0xe: {  	[smem:$0x3FB5] =	sst s6  }
0xf: {  	[smem:$0x3FB6] =	sst s7  }
0x10: {  	[smem:$0x3FB7] =	sst s8  }
0x11: {  	[smem:$0x3FB8] =	sst s9;
	s0 =	simm.s32 @!p0 $0x0  }
0x12: {  	s1 =	sld [smem:$0x3F9E];
	s0 =	simm.s32 @p0 $0x1  }
0x13: {  	[smem:$0x3FB9] =	sst s0;
	s0 =	simm.s32 @!p1 $0x0  }
0x14: {  	s2 =	sld [smem:$0x3F9D];
	s0 =	simm.s32 @p1 $0x1  }
0x15: {  	[smem:$0x3FBA] =	sst s0;
	s0 =	simm.s32 @!p2 $0x0  }
0x16: {  	s3 =	sld [smem:$0x3FDB];
	s0 =	simm.s32 @p2 $0x1  }
0x17: {  	s4 =	simm.s32 $0x1BF5;
	[smem:$0x3FBC] =	sst s0  }
0x18: {  	s0 =	sld [smem:$0x3F9F];
	_ =	swait.ge [sflag:s4], $0x0  }
0x19: {  	s7 =	sld [smem:$0x3FA0]  }
0x1a: {  	s8 =	sadd.s32 $0xFFFFE003, lr  }
0x1b: {  	s9 =	sadd.s32 $0xFFFFFEF7, lr;
	s5 =	simm.s32 $0xFFFFFFFF;
	p2 =	slt.u32 s8, $0xFFFFF086  }
0x1c: {  	p1 =	slt.u32 s9, $0xF7A;
	s5 =	simm.s32 @!p2 $0x0  }
0x1d: {  	s5 =	simm.s32 @p1 $0x1;
	p0 =	seq.s32 s7, s2  }
0x1e: {  	s7 =	smul.u32 @!p0 $0xF7A, s2;
	p2 =	seq.s32 @!p0 s5, $0x0  }
0x1f: {  	s9 =	smul.u32 $0xF7A, s1;
	s8 =	simm.s32 @!p0 $0x1BF5;
	p2 =	por !p2, p0  }
0x20: {  	[sflag:s8] =	ssyncset.s32 @!p0 $0xFFFFF086;
	s6 =	sadd.s32 @!p0 s3, s7;
	s7 =	simm.s32 @!p0 $0x108  }
0x21: {  	s3 =	sadd.s32 s3, s9;
	s6 =	sadd.s32 @!p0 $0x88, s6;
	s7 =	simm.s32 @p2 $0x1082  }
0x22: {  	[simem:s7], [sflag:s8] =	dma.local @!p0 [hbm:s6], $0xF7A  }
0x23: {  	s9 =	sor.u32 $0xD0000000, s2;
	s6 =	simm.s32 $0x108;
	_ =	swait.ge @!p0 [sflag:s8], $0x0  }
0x24: {  	s3 =	sadd.s32 $0x88, s3;
	s6 =	simm.s32 @!p1 $0x1082;
	[sflag:s4] =	ssyncset.s32 $0xFFFFF086  }
0x25: {  	[simem:s6], [sflag:s4] =	dma.local [hbm:s3], $0xF7A  }
0x26: {  	[smem:$0x3FA0] =	sst s1;
	(tag) =	ssettag s2;
	_ =	strace s9  }
0x27: {  	s1 =	sld [smem:$0x3FB0]  }
0x28: {  	s2 =	sld [smem:$0x3FB1]  }
0x29: {  	s4 =	sld [smem:$0x3FB3]  }
0x2a: {  	p0 =	seq.s32 s5, $0x0;
	s5 =	sld [smem:$0x3FB4]  }
0x2b: {  	s6 =	sld [smem:$0x3FB5]  }
0x2c: {  	s7 =	sld [smem:$0x3FB6]  }
0x2d: {  	s3 =	simm.s32 $0x108;
	s8 =	sld [smem:$0x3FB7]  }
0x2e: {  	s3 =	simm.s32 @!p0 $0x1082;
	s9 =	sld [smem:$0x3FB8]  }
0x2f: {  	lr =	sadd.s32 s0, s3;
	s0 =	sld [smem:$0x3FAF]  }
0x30: {  	s3 =	sld [smem:$0x3FB2]  }
0x31: {  	[smem:$0x3FBB] =	sst s10  }
0x32: {  	s10 =	sld [smem:$0x3FB9];
	_ =	sdelay $0x3  }
0x33: {  	p0 =	seq.s32 s10, $0x1;
	s10 =	sld [smem:$0x3FBB];
	_ =	sdelay $0x3  }
0x34: {  	[smem:$0x3FBB] =	sst s10  }
0x35: {  	s10 =	sld [smem:$0x3FBA];
	_ =	sdelay $0x3  }
0x36: {  	p1 =	seq.s32 s10, $0x1;
	s10 =	sld [smem:$0x3FBB];
	_ =	sdelay $0x3  }
0x37: {  	[smem:$0x3FBB] =	sst s10  }
0x38: {  	s10 =	sld [smem:$0x3FBC]  }
0x39: {  	_ = 	snop;
	(pc) =	sbr.ind lr, $3  }
0x3a: {  	_ = 	snop  }
0x3b: {  	_ = 	snop  }
0x3c: {  	p2 =	seq.s32 s10, $0x1;
	s10 =	sld [smem:$0x3FBB]  }
0x3d: {  	_ =	shalt  }
0x3e: {  	_ =	shalt  }
0x3f: {  	_ =	shalt  }
0x40: {  	_ =	shalt  }
0x41: {  	_ =	shalt  }
0x42: {  	_ =	shalt  }
0x43: {  	_ =	shalt  }
0x44: {  	_ =	shalt  }
0x45: {  	_ =	shalt  }
0x46: {  	_ =	shalt  }
0x47: {  	_ =	shalt  }
0x48: {  	_ =	shalt  }
0x49: {  	_ =	shalt  }
0x4a: {  	_ =	shalt  }
0x4b: {  	_ =	shalt  }
0x4c: {  	_ =	shalt  }
0x4d: {  	_ =	shalt  }
0x4e: {  	_ =	shalt  }
0x4f: {  	_ =	shalt  }
0x50: {  	_ =	shalt  }
0x51: {  	_ =	shalt  }
0x52: {  	_ =	shalt  }
0x53: {  	_ =	shalt  }
0x54: {  	_ =	shalt  }
0x55: {  	_ =	shalt  }
0x56: {  	_ =	shalt  }
0x57: {  	_ =	shalt  }
0x58: {  	_ =	shalt  }
0x59: {  	_ =	shalt  }
0x5a: {  	_ =	shalt  }
0x5b: {  	_ =	shalt  }
0x5c: {  	_ =	shalt  }
0x5d: {  	_ =	shalt  }
0x5e: {  	_ =	shalt  }
0x5f: {  	_ =	shalt  }
0x60: {  	_ =	shalt  }
0x61: {  	_ =	shalt  }
0x62: {  	_ =	shalt  }
0x63: {  	_ =	shalt  }
0x64: {  	_ =	shalt  }
0x65: {  	_ =	shalt  }
0x66: {  	_ =	shalt  }
0x67: {  	_ =	shalt  }
0x68: {  	_ =	shalt  }
0x69: {  	_ =	shalt  }
0x6a: {  	_ =	shalt  }
0x6b: {  	_ =	shalt  }
0x6c: {  	_ =	shalt  }
0x6d: {  	_ =	shalt  }
0x6e: {  	_ =	shalt  }
0x6f: {  	_ =	shalt  }
0x70: {  	_ =	shalt  }
0x71: {  	_ =	shalt  }
0x72: {  	_ =	shalt  }
0x73: {  	_ =	shalt  }
0x74: {  	_ =	shalt  }
0x75: {  	_ =	shalt  }
0x76: {  	_ =	shalt  }
0x77: {  	_ =	shalt  }
0x78: {  	_ =	shalt  }
0x79: {  	_ =	shalt  }
0x7a: {  	_ =	shalt  }
0x7b: {  	_ =	shalt  }
0x7c: {  	_ =	shalt  }
0x7d: {  	_ =	shalt  }
0x7e: {  	_ =	shalt  }
0x7f: {  	_ =	shalt  }
0x80: {  	_ =	shalt  }
0x81: {  	_ =	shalt  }
0x82: {  	_ =	shalt  }
0x83: {  	_ =	shalt  }
0x84: {  	_ =	shalt  }
0x85: {  	_ =	shalt  }
0x86: {  	_ =	shalt  }
0x87: {  	_ =	shalt  }
.Lfunc_end0:
.L_simem_size_0:
called_computation.2_lowered:
.L_overlay_start_0:
0x88: {  	s2 =	sld [smem:$0x3FD9]  }
0x89: {  	s3 =	sld [smem:$0x3FFE];
	_ =	sdelay $0x1  }
0x8a: {  	s1 =	srdreg.scid  }
0x8b: {  	s0 =	sand.u32 $0x1, s1  }
0x8c: {  	s14 =	sshll.u32 s0, $0xA;
	s2 =	sadd.s32 s3, s2  }
0x8d: {  	s2 =	sadd.s32 s2, s14  }
0x8e: {  	[smem:$0x3FC7] =	sst s2  }
0x8f: {  	_ = 	snop  }
0x90: {  	s2 =	sld [smem:$0x3FD0];
	_ =	sdelay $0x2  }
0x91: {  	s15 =	simm.s32 $0xA;
	s4 =	simm.s32 $0x10  }
0x92: {  	[smem:s4], [sflag:s15] =	dma.local [hbm:s2], $0x1  }
0x93: {  	_ =	swait.eq [sflag:s15], $0x1  }
0x94: {  	[sflag:s15] =	ssyncset.done $0x0  }
0x95: {  	s16 =	sld [smem:$0x10];
	[sflag:s15] =	ssyncadd.s32 $0xFFFFFFFF  }
0x96: {  	s17 =	sld [smem:$0x11];
	(tm) =	ssettm $0x1  }
0x97: {  	s18 =	sld [smem:$0x3FFB];
	_ =	sdelay $0x3  }
0x98: {  	_ =	strace s18  }
0x99: {  	s4 =	sld [smem:$0x3FFC];
	_ =	sdelay $0x3  }
0x9a: {  	_ =	strace s4  }
0x9b: {  	s4 =	sld [smem:$0x3FFD];
	_ =	sdelay $0x3  }
0x9c: {  	_ =	strace s4  }
0x9d: {  	_ =	strace $0x8FFFFFFF  }
0x9e: {  	s19 =	sld [smem:$0x3FDB];
	_ =	sdelay $0x1  }
0x9f: {  	s5 =	simm.s32 $_scs_section_size  }
0xa0: {  	s6 =	simm.s32 $_size__tile_overlayer_lowered;
	s7 =	simm.s32 $_tile_overlayer_lowered  }
0xa1: {  	s22 =	simm.s32 $0x1BFF;
	s21 =	sshll.u32 s7, $0x1;
	s4 =	sadd.s32 s5, s19  }
0xa2: {  	s8 =	simm.s32 $0x0;
	s20 =	sshll.u32 s6, $0x1;
	s6 =	sadd.s32 s21, s4  }
0xa3: {  	[timem:s8], [sflag:s22] =	dma.local [hbm:s6], s20  }
0xa4: {  	_ =	swait.ge [sflag:s22], s20  }
0xa5: {  	s5 =	ssub.s32 $0x0, s20;
	[sflag:s22] =	ssyncset.done $0x0  }
0xa6: {  	[sflag:s22] =	ssyncadd.s32 s5;
	_ =	sdelay $0x1  }
0xa7: {  	s23 =	simm.s32 $0x1B8B  }
0xa8: {  	_ =	swait.ge [sflag:s23], $0x1  }
0xa9: {  	[sflag:s23] =	ssyncset.done $0x0  }
0xaa: {  	s25 =	simm.s32 $0x1B8E;
	s24 =	sld [smem:$0x3FFE];
	[sflag:s23] =	ssyncadd.s32 $0xFFFFFFFF  }
0xab: {  	s26 =	simm.s32 $execute0_lowered;
	[smem:$0x3FD2] =	sst s25  }
0xac: {  	s6 =	sshll.u32 s26, $0x1;
	_ =	strace $0x80000046;
	[dreg:$0x1] =	wrdreg $0xFFFFFFFF  }
0xad: {  	s28 =	simm.s32 $_size_execute0_lowered;
	s4 =	sadd.s32 s4, s6;
	[dreg:$0x0] =	wrdreg $0x0  }
0xae: {  	s6 =	sshll.u32 s28, $0x1;
	[dreg:$0x2] =	wrdreg s4  }
0xaf: {  	[dreg:$0x3] =	wrdreg s6  }
0xb0: {  	[dreg:$0x4] =	wrdreg $0xC0  }
0xb1: {  	_ =	task [dreg:s8], $0x5FFFF  }
0xb2: {  	[dreg:$0x1] =	wrdreg $0xFFFFFFFF  }
0xb3: {  	[dreg:$0x0] =	wrdreg $0x60  }
0xb4: {  	[dreg:$0x2] =	wrdreg s17  }
0xb5: {  	[dreg:$0x3] =	wrdreg s16  }
0xb6: {  	[dreg:$0x4] =	wrdreg s24  }
0xb7: {  	[dreg:$0x5] =	wrdreg $0x9  }
0xb8: {  	_ =	task.clear_ibuf [dreg:s8], $0x6FFFF;
	_ =	strace $0x90000046  }
0xb9: {  	s29 =	simm.s32 $0x9;
	_ =	strace $0x80000051  }
0xba: {  	_ =	swait.ge [sflag:s29], $0x1  }
0xbb: {  	[sflag:s29] =	ssyncadd.s32 $0xFFFFFFFF  }
0xbc: {  	_ =	strace $0x90000051  }
0xbd: {  	_ =	sfence  }
0xbe: {  	s30 =	sld [smem:$0x0];
	_ =	sdelay $0x2  }
0xbf: {  	s31 =	sshll.u32 s1, $0xD;
	s1 =	sshrl.u32 s1, $0x2  }
0xc0: {  	s3 =	sand.u32 $0x4000, s31;
	s1 =	sadd.s32 s1, s30  }
0xc1: {  	s0 =	sor.u32 s3, s0;
	s1 =	sshll.u32 s1, $0x11  }
0xc2: {  	s0 =	sor.u32 s1, s0  }
0xc3: {  	s0 =	sadd.s32 $0x8F2B, s0  }
0xc4: {  	[sflag:s0] =	ssyncadd.remote.s32 $0x1  }
0xc5: {  	_ =	sfence.sel $0xFFFF  }
0xc6: {  	[dreg:$0x0] =	wrdreg $0xFFFFFFFF;
	(pc) =	sbr.abs _section_cstart, $3  }
0xc7: {  	[dreg:$0x1] =	wrdreg $0xFFFFFFFF  }
0xc8: {  	_ =	task.clear_ibuf [dreg:s8], $0x2FFFF;
	_ =	strace $0x9FFFFFFF  }
0xc9: {  	(tm) =	ssettm $0x7FFFFFFF  }
tec
execute0_lowered:
.L_overlay_start_1:
0x0: {  	(tag) =	ssettag $0x1  }
0x1: {  	v0 =	vimm.s32 $0x1380;
	vm0 =	vcmask $0x300  }
0x2: {  	vm14 =	vcmask $0x704;
	v0 =	vsel vm0, $0x0, v0  }
0x3: {  	vm15 =	vcmask $0xB08;
	v0 =	vsel vm14, $0x80, v0  }
0x4: {  	vm4 =	vcmask $0xF0C;
	v0 =	vsel vm15, $0x100, v0  }
0x5: {  	vm5 =	vcmask $0x1310;
	v0 =	vsel vm4, $0x180, v0  }
0x6: {  	vm6 =	vcmask $0x1714;
	v0 =	vsel vm5, $0x200, v0  }
0x7: {  	s0 =	rddreg [dreg:$0x0];
	vm7 =	vcmask $0x1B18;
	v0 =	vsel vm6, $0x280, v0  }
0x8: {  	s2 =	rddreg [dreg:$0x1];
	vm8 =	vcmask $0x1F1C;
	v0 =	vsel vm7, $0x300, v0  }
0x9: {  	s6 =	rddreg [dreg:$0x2];
	vm9 =	vcmask $0x2320;
	v0 =	vsel vm8, $0x380, v0  }
0xa: {  	s1 =	rddreg [dreg:$0x3];
	s3 =	simm.s32 $0x0;
	s4 =	srdreg.scid;
	vm10 =	vcmask $0x2724;
	v0 =	vsel vm9, $0x1000, v0  }
0xb: {  	vm11 =	vcmask $0x2B28;
	s11 =	simm.s32 $0x1;
	s12 =	simm.s32 $0x0;
	[smem:$0x7FF] =	sst s3;
	v0 =	vsel vm10, $0x1080, v0  }
0xc: {  	vm12 =	vcmask $0x2F2C;
	s5 =	sand.u32 $0x1, s4;
	s4 =	stileid.u32;
	_ =	strace $0x80000047;
	v0 =	vsel vm11, $0x1100, v0  }
0xd: {  	vm13 =	vcmask $0x3330;
	s7 =	ssub.s32 $0x2, s5;
	s8 =	sshll.u32 s5, $0x4;
	s5 =	sadd.s32 $0x201200, s6;
	v0 =	vsel vm12, $0x1180, v0  }
0xe: {  	s6 =	sadd.s32 $0x1200, s6;
	vm14 =	vcmask $0x3734;
	s9 =	sshrl.u32 s7, $0x1;
	s8 =	sor.u32 s4, s8;
	v0 =	vsel vm13, $0x1200, v0  }
0xf: {  	v1 =	vlaneseq.u32;
	vm15 =	vcmask $0x3B38;
	s9 =	ssub.s32 s7, s9;
	s10 =	sshll.u32 s8, $0xE;
	s7 =	sshll.u32 s8, $0x6;
	v2 =	vsel vm14, $0x1280, v0  }
0x10: {  	s8 =	sadd.s32 s0, s10;
	s9 =	smax.u32 s9, $0x1;
	s10 =	simm.s32 $0x480;
	v0 =	vmul.u32 $0x80, v1;
	v1 =	vsel vm15, $0x1300, v2  }
.LBB2_1:
0x11: {  	[tilespmem:s3], [sflag:$0x1] =	stream.linear.gather [hbm4b:s2+s3], $0x80, $0x38;
	[tilespmem:$0x6480] =	vst v63  }
0x12: {  	_ =	swait.ge [sflag:s11], $0x80  }
0x13: {  	s14 =	simm.s32 $0x0;
	s13 =	simm.s32 $0x0;
	[sflag:s11] =	ssyncset.done $0x0  }
0x14: {  	s15 =	simm.s32 $0x0;
	s22 =	simm.s32 $0x0;
	[sflag:s11] =	ssyncadd.s32 $0xFFFFFF80  }
0x15: {  	s16 =	simm.s32 $0x0;
	s17 =	simm.s32 $0x0;
	_ =	strace $0x80000048  }
0x16: {  	[tilespmem:s10], [sflag:$0x1] =	stream.linear.gather [hbm4b:s8+s3], $0x800, $0x200038;
	[tilespmem:$0x6480] =	vst v63  }
0x17: {  	s18 =	simm.s32 $0x1;
	s19 =	simm.s32 $0x0;
	_ =	strace $0x90000048  }
.LBB2_2:
0x18: {  	s20 =	smov.u32 s14;
	s14 =	sadd.s32 $0x1, s14  }
0x19: {  	p0 =	seq.s32 s14, $0x40  }
0x1a: {  	s14 =	simm.s32 @p0 $0x0  }
0x1b: {  	p1 =	sne.s32 s19, $0x3F;
	p0 =	sne.s32 s20, s14  }
0x1c: {  	p0 =	por !p1, !p0  }
0x1d: {  	p0 =	por !p0, !p0  }
0x1e: {  	s25 =	simm.s32 $0x0;
	s23 =	sadd.s32 @p0 s7, s14  }
0x1f: {  	s21 =	sand.u32 @p0 $0x1, s18;
	_ =	strace @p0 $0x80000049;
	s23 =	sshll.u32 @p0 s23, $0x8  }
0x20: {  	s26 =	simm.s32 @p0 $0x0;
	s24 =	sshll.u32 @p0 s21, $0xB;
	s23 =	sand.u32 @p0 $0x1FFFFF00, s23  }
0x21: {  	v2 =	vmov s25;
	s21 =	sadd.s32 @p0 $0x1, s21;
	s24 =	sor.u32 @p0 $0x480, s24;
	s23 =	sadd.s32 @p0 s0, s23  }
0x22: {  	v2 =	vand.u32 $0x7F, v2;
	[tilespmem:s24], [sflag:s21] =	stream.linear.gather @p0 [hbm4b:s23+s26], $0x800, $0x200038;
	[tilespmem:$0x6480] =	vst v63  }
0x23: {  	s28 =	sand.u32 $0x1, s17;
	v2 =	vbroadcast v2, $0x0;
	_ =	strace @p0 $0x90000049  }
0x24: {  	s29 =	sadd.s32 $0x1, s28;
	_ =	strace $0x8000004A  }
0x25: {  	v2 =	vor.u32 v0, v2;
	_ =	swait.ge [sflag:s29], $0x800  }
0x26: {  	s30 =	simm.s32 $0x1;
	[sflag:s29] =	ssyncset.done $0x0  }
0x27: {  	v3 =	vmov s30;
	[sflag:s29] =	ssyncadd.s32 $0xFFFFF800  }
0x28: {  	v3 =	vand.u32 $0x7F, v3;
	s21 =	sshll.u32 s28, $0xB;
	_ =	strace $0x9000004A  }
0x29: {  	v3 =	vbroadcast v3, $0x0;
	s23 =	sor.u32 $0x480, s21;
	_ =	strace $0x8000004B  }
0x2a: {  	v2 =	vld.idx.msk [tilespmem:v2+s23+$0x0], $0xffff  }
0x2b: {  	v4 =	vor.u32 v0, v3  }
0x2c: {  	s31 =	simm.s32 $0x2  }
0x2d: {  	v3 =	vmov s31  }
0x2e: {  	v3 =	vand.u32 $0x7F, v3;
	s24 =	simm.s32 $0x80  }
0x2f: {  	v6 =	vbroadcast v3, $0x0;
	v5 =	vmul.f32 v2, v2;
	[tilespmem:s24+$0x0] =	vst v2  }
0x30: {  	v7 =	vimm.f32 $0.0e+00;
	v4 =	vld.idx.msk [tilespmem:v4+s23+$0x0], $0xffff  }
0x31: {  	s25 =	simm.s32 $0x3;
	v3 =	vadd.f32 v2, v7;
	v2 =	vadd.f32 v5, v7;
	v5 =	vor.u32 v0, v6  }
0x32: {  	s26 =	simm.s32 $0x4;
	s21 =	smov.u32 s22;
	s22 =	sadd.s32 s7, s20  }
.LBB2_3:
0x33: {  	p1 =	sne.s32 s26, $0x3F  }
0x34: {  	v6 =	vmov s25;
	s24 =	sadd.s32 $0x10, s24;
	s25 =	smov.u32 s26  }
.Ltmp0:
0x35: {  	v6 =	vand.u32 $0x7F, v6;
	v3 =	vadd.f32 v4, v3;
	v7 =	vmul.f32 v4, v4;
	[tilespmem:s24+$0x0] =	vst v4;
	(pc) =	sbr.rel @p1 .LBB2_3-.Ltmp0, $4  }
0x36: {  	v6 =	vbroadcast v6, $0x0;
	v4 =	vld.idx.msk [tilespmem:v5+s23+$0x0], $0xffff  }
0x37: {  	v2 =	vadd.f32 v7, v2  }
0x38: {  	v5 =	vor.u32 v0, v6  }
0x39: {  	s26 =	sadd.s32 $0x1, s26  }
0x3a: {  	_ = 	snop  }
0x3b: {  	v6 =	vmov s25  }
0x3c: {  	s24 =	sadd.s32 $0x10, s24;
	v6 =	vand.u32 $0x7F, v6  }
0x3d: {  	[tilespmem:s24+$0x0] =	vst v4;
	v6 =	vbroadcast v6, $0x0  }
0x3e: {  	v5 =	vld.idx.msk [tilespmem:v5+s23+$0x0], $0xffff  }
0x3f: {  	v6 =	vor.u32 v0, v6;
	_ =	sdelay $0x2  }
0x40: {  	s24 =	sadd.s32 $0x10, s24  }
0x41: {  	[tilespmem:s24+$0x0] =	vst v5  }
0x42: {  	v6 =	vld.idx.msk [tilespmem:v6+s23+$0x0], $0xffff  }
0x43: {  	v3 =	vadd.f32 v4, v3;
	_ =	sdelay $0x1  }
0x44: {  	v4 =	vmul.f32 v4, v4;
	v3 =	vadd.f32 v5, v3;
	_ =	sdelay $0x1  }
0x45: {  	v2 =	vadd.f32 v4, v2;
	v4 =	vmul.f32 v5, v5;
	v3 =	vadd.f32 v6, v3;
	_ =	sdelay $0x1  }
0x46: {  	v4 =	vadd.f32 v4, v2;
	v5 =	vmul.f32 v6, v6;
	v2 =	vmul.f32 $1.562500000e-02, v3;
	_ =	sdelay $0x1  }
0x47: {  	v4 =	vadd.f32 v5, v4;
	v3 =	vmul.f32 v2, v3;
	_ =	sdelay $0x1  }
0x48: {  	v3 =	vsub.f32 v4, v3;
	_ =	sdelay $0x1  }
0x49: {  	v3 =	vmul.f32 $1.587301680e-02, v3;
	_ =	sdelay $0x1  }
0x4a: {  	v3 =	vmax.f32 v3, $1.000000000e-30  }
0x4b: {  	v4 =	vshra.s32 v3, $0x1;
	v5 =	vmul.f32 $5.000000000e-01, v3  }
0x4c: {  	v4 =	vsub.s32 $0x5F3759DF, v4  }
0x4d: {  	v7 =	vmul.f32 v4, v5;
	_ =	sdelay $0x1  }
0x4e: {  	v7 =	vmul.f32 v4, v7;
	_ =	sdelay $0x1  }
0x4f: {  	v7 =	vsub.f32 $1.500000000e+00, v7;
	_ =	sdelay $0x1  }
0x50: {  	v4 =	vmul.f32 v4, v7;
	_ =	sdelay $0x1  }
0x51: {  	v5 =	vmul.f32 v4, v5;
	_ =	sdelay $0x1  }
0x52: {  	v5 =	vmul.f32 v5, v4;
	_ =	sdelay $0x1  }
0x53: {  	v5 =	vsub.f32 $1.500000000e+00, v5;
	_ =	sdelay $0x1  }
0x54: {  	v4 =	vmul.f32 v5, v4;
	_ =	sdelay $0x1  }
0x55: {  	v4 =	vmul.f32 v4, v3;
	_ =	sdelay $0x1  }
0x56: {  	(erf) = vrcp.f32 v4;
	_ =	sdelay $0x8  }
0x57: {  	v5 =	vpop (erf)  }
0x58: {  	v3 =	vmul.f32 v5, v3;
	_ =	sdelay $0x1  }
0x59: {  	v3 =	vadd.f32 v3, v4;
	_ =	sdelay $0x1  }
0x5a: {  	v3 =	vmul.f32 $5.000000000e-01, v3;
	_ =	sdelay $0x1  }
0x5b: {  	v3 =	vadd.f32 $9.999999740e-06, v3;
	_ =	sdelay $0x1  }
0x5c: {  	(erf) = vrcp.f32 v3;
	_ =	sdelay $0x6  }
0x5d: {  	s24 =	sadd.s32 $0x10, s24  }
0x5e: {  	s26 =	simm.s32 $0x80;
	[tilespmem:s24+$0x0] =	vst v6  }
0x5f: {  	v6 =	vld [tilespmem:s26+$0x0];
	v4 =	vpop (erf)  }
0x60: {  	v4 =	vmul.f32 $3.000000000e+00, v4;
	_ =	sdelay $0x1  }
0x61: {  	v5 =	vmul.f32 v4, v2;
	_ =	sdelay $0x1  }
0x62: {  	v7 =	vmul.f32 v6, v4;
	v5 =	vsub.f32 $3.500000000e+00, v5;
	_ =	sdelay $0x1  }
0x63: {  	s30 =	simm.s32 $0x0;
	v7 =	vadd.f32 v7, v5  }
0x64: {  	v8 =	vmov s30  }
0x65: {  	v9 =	vshll.u32 v8, $0x3;
	v7 =	vmax.f32 v7, $5.000000000e-01  }
0x66: {  	v8 =	vand.u32 $0x78, v8;
	v9 =	vand.u32 $0xC00, v9;
	v7 =	vmin.f32 v7, $6.500000000e+00  }
0x67: {  	v8 =	vor.u32 v9, v8;
	v7 =	vtrunc.f32 v7  }
0x68: {  	v8 =	vor.u32 v1, v8;
	v7 =	vcvt.f32.s32 v7;
	_ =	sdelay $0x1  }
0x69: {  	s24 =	sand.u32 $0x1, s15  }
0x6a: {  	s31 =	sshll.u32 s24, $0xD  }
0x6b: {  	s25 =	sadd.s32 $0x2480, s31  }
0x6c: {  	[tilespmem:v8+s25+$0x0] =	vst.idx.msk $0xffff, v7  }
0x6d: {  	v7 =	vld.idx.msk [tilespmem:v7+s3+$0x0], $0xffff;
	_ =	sdelay $0x4  }
0x6e: {  	v7 =	vmul.f32 v7, v3;
	_ =	sdelay $0x1  }
0x6f: {  	v7 =	vadd.f32 v7, v2;
	_ =	sdelay $0x1  }
0x70: {  	v8 =	vsub.f32 v6, v7;
	_ =	sdelay $0x1  }
0x71: {  	v6 =	vimm.f32 $0.0e+00;
	[tilespmem:s26+$0x0] =	vst v8;
	s26 =	simm.s32 $0x90;
	v9 =	vmul.f32 v8, v8  }
0x72: {  	s28 =	simm.s32 $0x8;
	s29 =	simm.s32 $0x10;
	v7 =	vadd.f32 v8, v6;
	v8 =	vld [tilespmem:s26+$0x0]  }
.LBB2_5:
0x73: {  	p1 =	sne.s32 s29, $0x1F8;
	v6 =	vadd.f32 v9, v6;
	s30 =	smov.u32 s29;
	s29 =	sadd.s32 $0x8, s29  }
0x74: {  	_ =	sdelay $0x2  }
0x75: {  	v9 =	vmul.f32 v8, v4;
	_ =	sdelay $0x1  }
0x76: {  	v9 =	vadd.f32 v9, v5  }
0x77: {  	v10 =	vmov s28;
	s28 =	smov.u32 s30  }
0x78: {  	v11 =	vshll.u32 v10, $0x3;
	v9 =	vmax.f32 v9, $5.000000000e-01  }
0x79: {  	v10 =	vand.u32 $0x78, v10;
	v11 =	vand.u32 $0xC00, v11;
	v9 =	vmin.f32 v9, $6.500000000e+00  }
0x7a: {  	v10 =	vor.u32 v11, v10;
	v9 =	vtrunc.f32 v9  }
0x7b: {  	v10 =	vor.u32 v1, v10;
	v9 =	vcvt.f32.s32 v9;
	_ =	sdelay $0x4  }
0x7c: {  	[tilespmem:v10+s25+$0x0] =	vst.idx.msk $0xffff, v9  }
0x7d: {  	v9 =	vld.idx.msk [tilespmem:v9+s3+$0x0], $0xffff;
	_ =	sdelay $0x5  }
0x7e: {  	v9 =	vmul.f32 v9, v3;
	_ =	sdelay $0x1  }
0x7f: {  	v9 =	vadd.f32 v9, v2  }
.Ltmp1:
0x80: {  	(pc) =	sbr.rel @p1 .LBB2_5-.Ltmp1, $3  }
0x81: {  	v8 =	vsub.f32 v8, v9;
	_ =	sdelay $0x1  }
0x82: {  	v7 =	vadd.f32 v8, v7;
	v9 =	vmul.f32 v8, v8;
	[tilespmem:s26+$0x0] =	vst v8;
	s26 =	sadd.s32 $0x10, s26  }
0x83: {  	v8 =	vld [tilespmem:s26+$0x0]  }
0x84: {  	_ =	sdelay $0x3  }
0x85: {  	v4 =	vmul.f32 v8, v4;
	_ =	sdelay $0x1  }
0x86: {  	v4 =	vadd.f32 v4, v5  }
0x87: {  	v5 =	vmov s28  }
0x88: {  	v10 =	vshll.u32 v5, $0x3;
	v4 =	vmax.f32 v4, $5.000000000e-01  }
0x89: {  	v5 =	vand.u32 $0x78, v5;
	v10 =	vand.u32 $0xC00, v10;
	v4 =	vmin.f32 v4, $6.500000000e+00  }
0x8a: {  	v5 =	vor.u32 v10, v5;
	v4 =	vtrunc.f32 v4  }
0x8b: {  	v5 =	vor.u32 v1, v5;
	v4 =	vcvt.f32.s32 v4;
	_ =	sdelay $0x4  }
0x8c: {  	[tilespmem:v5+s25+$0x0] =	vst.idx.msk $0xffff, v4  }
0x8d: {  	v4 =	vld.idx.msk [tilespmem:v4+s3+$0x0], $0xffff;
	_ =	sdelay $0x4  }
0x8e: {  	v3 =	vmul.f32 v4, v3;
	_ =	sdelay $0x1  }
0x8f: {  	v2 =	vadd.f32 v3, v2;
	_ =	sdelay $0x1  }
0x90: {  	v4 =	vsub.f32 v8, v2;
	_ =	sdelay $0x1  }
0x91: {  	v3 =	vadd.f32 v4, v7;
	_ =	sdelay $0x1  }
0x92: {  	v5 =	vadd.f32 v9, v6;
	v6 =	vmul.f32 v4, v4;
	v2 =	vmul.f32 $1.562500000e-02, v3;
	_ =	sdelay $0x1  }
0x93: {  	v5 =	vadd.f32 v6, v5;
	v3 =	vmul.f32 v2, v3;
	_ =	sdelay $0x1  }
0x94: {  	v3 =	vsub.f32 v5, v3;
	_ =	sdelay $0x1  }
0x95: {  	v3 =	vmul.f32 $1.587301680e-02, v3;
	_ =	sdelay $0x1  }
0x96: {  	v3 =	vmax.f32 v3, $1.000000000e-30  }
0x97: {  	v5 =	vshra.s32 v3, $0x1;
	v6 =	vmul.f32 $5.000000000e-01, v3  }
0x98: {  	v5 =	vsub.s32 $0x5F3759DF, v5  }
0x99: {  	v7 =	vmul.f32 v5, v6;
	_ =	sdelay $0x1  }
0x9a: {  	v7 =	vmul.f32 v5, v7;
	_ =	sdelay $0x1  }
0x9b: {  	v7 =	vsub.f32 $1.500000000e+00, v7;
	_ =	sdelay $0x1  }
0x9c: {  	v5 =	vmul.f32 v5, v7;
	_ =	sdelay $0x1  }
0x9d: {  	v6 =	vmul.f32 v5, v6;
	_ =	sdelay $0x1  }
0x9e: {  	v6 =	vmul.f32 v6, v5;
	_ =	sdelay $0x1  }
0x9f: {  	v6 =	vsub.f32 $1.500000000e+00, v6;
	_ =	sdelay $0x1  }
0xa0: {  	v5 =	vmul.f32 v6, v5;
	_ =	sdelay $0x1  }
0xa1: {  	v5 =	vmul.f32 v5, v3;
	_ =	sdelay $0x1  }
0xa2: {  	(erf) = vrcp.f32 v5;
	_ =	sdelay $0x8  }
0xa3: {  	v6 =	vpop (erf)  }
0xa4: {  	v3 =	vmul.f32 v6, v3;
	_ =	sdelay $0x1  }
0xa5: {  	v3 =	vadd.f32 v3, v5;
	_ =	sdelay $0x1  }
0xa6: {  	v3 =	vmul.f32 $5.000000000e-01, v3;
	_ =	sdelay $0x1  }
0xa7: {  	v3 =	vadd.f32 $9.999999740e-06, v3;
	_ =	sdelay $0x1  }
0xa8: {  	(erf) = vrcp.f32 v3;
	_ =	sdelay $0x7  }
0xa9: {  	s31 =	simm.s32 $0x80;
	[tilespmem:s26+$0x0] =	vst v4  }
0xaa: {  	v6 =	vld [tilespmem:s31+$0x0];
	v4 =	vpop (erf)  }
0xab: {  	v4 =	vmul.f32 $3.000000000e+00, v4;
	_ =	sdelay $0x1  }
0xac: {  	v5 =	vmul.f32 v4, v2;
	_ =	sdelay $0x1  }
0xad: {  	v7 =	vmul.f32 v6, v4;
	v5 =	vsub.f32 $3.500000000e+00, v5;
	_ =	sdelay $0x1  }
0xae: {  	s28 =	simm.s32 $0x1;
	v7 =	vadd.f32 v7, v5  }
0xaf: {  	v8 =	vmov s28  }
0xb0: {  	v9 =	vshll.u32 v8, $0x3;
	v7 =	vmax.f32 v7, $5.000000000e-01  }
0xb1: {  	v8 =	vand.u32 $0x79, v8;
	v9 =	vand.u32 $0xC00, v9;
	v7 =	vmin.f32 v7, $6.500000000e+00  }
0xb2: {  	v8 =	vor.u32 v9, v8;
	v7 =	vtrunc.f32 v7  }
0xb3: {  	v8 =	vor.u32 v1, v8;
	v7 =	vcvt.f32.s32 v7;
	_ =	sdelay $0x4  }
0xb4: {  	[tilespmem:v8+s25+$0x0] =	vst.idx.msk $0xffff, v7  }
0xb5: {  	v7 =	vld.idx.msk [tilespmem:v7+s3+$0x0], $0xffff;
	_ =	sdelay $0x4  }
0xb6: {  	v7 =	vmul.f32 v7, v3;
	_ =	sdelay $0x1  }
0xb7: {  	v7 =	vadd.f32 v7, v2;
	_ =	sdelay $0x1  }
0xb8: {  	v8 =	vsub.f32 v6, v7;
	_ =	sdelay $0x1  }
0xb9: {  	s26 =	simm.s32 $0x90;
	v6 =	vimm.f32 $0.0e+00;
	[tilespmem:s31+$0x0] =	vst v8;
	v9 =	vmul.f32 v8, v8  }
0xba: {  	s29 =	simm.s32 $0x11;
	s28 =	simm.s32 $0x9;
	v7 =	vadd.f32 v8, v6;
	v8 =	vld [tilespmem:s26+$0x0]  }
.LBB2_7:
0xbb: {  	p1 =	sne.s32 s29, $0x1F9;
	v6 =	vadd.f32 v9, v6;
	s30 =	smov.u32 s29;
	s29 =	sadd.s32 $0x8, s29  }
0xbc: {  	_ =	sdelay $0x2  }
0xbd: {  	v9 =	vmul.f32 v8, v4;
	_ =	sdelay $0x1  }
0xbe: {  	v9 =	vadd.f32 v9, v5  }
0xbf: {  	v10 =	vmov s28;
	s28 =	smov.u32 s30  }
0xc0: {  	v11 =	vshll.u32 v10, $0x3;
	v9 =	vmax.f32 v9, $5.000000000e-01  }
0xc1: {  	v10 =	vand.u32 $0x79, v10;
	v11 =	vand.u32 $0xC00, v11;
	v9 =	vmin.f32 v9, $6.500000000e+00  }
0xc2: {  	v10 =	vor.u32 v11, v10;
	v9 =	vtrunc.f32 v9  }
0xc3: {  	v10 =	vor.u32 v1, v10;
	v9 =	vcvt.f32.s32 v9;
	_ =	sdelay $0x4  }
0xc4: {  	[tilespmem:v10+s25+$0x0] =	vst.idx.msk $0xffff, v9  }
0xc5: {  	v9 =	vld.idx.msk [tilespmem:v9+s3+$0x0], $0xffff;
	_ =	sdelay $0x5  }
0xc6: {  	v9 =	vmul.f32 v9, v3;
	_ =	sdelay $0x1  }
0xc7: {  	v9 =	vadd.f32 v9, v2  }
.Ltmp2:
0xc8: {  	(pc) =	sbr.rel @p1 .LBB2_7-.Ltmp2, $3  }
0xc9: {  	v8 =	vsub.f32 v8, v9;
	_ =	sdelay $0x1  }
0xca: {  	v7 =	vadd.f32 v8, v7;
	v9 =	vmul.f32 v8, v8;
	[tilespmem:s26+$0x0] =	vst v8;
	s26 =	sadd.s32 $0x10, s26  }
0xcb: {  	v8 =	vld [tilespmem:s26+$0x0]  }
0xcc: {  	_ =	sdelay $0x3  }
0xcd: {  	v4 =	vmul.f32 v8, v4;
	_ =	sdelay $0x1  }
0xce: {  	v4 =	vadd.f32 v4, v5  }
0xcf: {  	v5 =	vmov s28  }
0xd0: {  	v10 =	vshll.u32 v5, $0x3;
	v4 =	vmax.f32 v4, $5.000000000e-01  }
0xd1: {  	v5 =	vand.u32 $0x79, v5;
	v10 =	vand.u32 $0xC00, v10;
	v4 =	vmin.f32 v4, $6.500000000e+00  }
0xd2: {  	v5 =	vor.u32 v10, v5;
	v4 =	vtrunc.f32 v4  }
0xd3: {  	v5 =	vor.u32 v1, v5;
	v4 =	vcvt.f32.s32 v4;
	_ =	sdelay $0x4  }
0xd4: {  	[tilespmem:v5+s25+$0x0] =	vst.idx.msk $0xffff, v4  }
0xd5: {  	v4 =	vld.idx.msk [tilespmem:v4+s3+$0x0], $0xffff;
	_ =	sdelay $0x4  }
0xd6: {  	v3 =	vmul.f32 v4, v3;
	_ =	sdelay $0x1  }
0xd7: {  	v2 =	vadd.f32 v3, v2;
	_ =	sdelay $0x1  }
0xd8: {  	v4 =	vsub.f32 v8, v2;
	_ =	sdelay $0x1  }
0xd9: {  	v3 =	vadd.f32 v4, v7;
	_ =	sdelay $0x1  }
0xda: {  	v5 =	vadd.f32 v9, v6;
	v6 =	vmul.f32 v4, v4;
	v2 =	vmul.f32 $1.562500000e-02, v3;
	_ =	sdelay $0x1  }
0xdb: {  	v5 =	vadd.f32 v6, v5;
	v3 =	vmul.f32 v2, v3;
	_ =	sdelay $0x1  }
0xdc: {  	v3 =	vsub.f32 v5, v3;
	_ =	sdelay $0x1  }
0xdd: {  	v3 =	vmul.f32 $1.587301680e-02, v3;
	_ =	sdelay $0x1  }
0xde: {  	v3 =	vmax.f32 v3, $1.000000000e-30  }
0xdf: {  	v5 =	vshra.s32 v3, $0x1;
	v6 =	vmul.f32 $5.000000000e-01, v3  }
0xe0: {  	v5 =	vsub.s32 $0x5F3759DF, v5  }
0xe1: {  	v7 =	vmul.f32 v5, v6;
	_ =	sdelay $0x1  }
0xe2: {  	v7 =	vmul.f32 v5, v7;
	_ =	sdelay $0x1  }
0xe3: {  	v7 =	vsub.f32 $1.500000000e+00, v7;
	_ =	sdelay $0x1  }
0xe4: {  	v5 =	vmul.f32 v5, v7;
	_ =	sdelay $0x1  }
0xe5: {  	v6 =	vmul.f32 v5, v6;
	_ =	sdelay $0x1  }
0xe6: {  	v6 =	vmul.f32 v6, v5;
	_ =	sdelay $0x1  }
0xe7: {  	v6 =	vsub.f32 $1.500000000e+00, v6;
	_ =	sdelay $0x1  }
0xe8: {  	v5 =	vmul.f32 v6, v5;
	_ =	sdelay $0x1  }
0xe9: {  	v5 =	vmul.f32 v5, v3;
	_ =	sdelay $0x1  }
0xea: {  	(erf) = vrcp.f32 v5;
	_ =	sdelay $0x8  }
0xeb: {  	v6 =	vpop (erf)  }
0xec: {  	v3 =	vmul.f32 v6, v3;
	_ =	sdelay $0x1  }
0xed: {  	v3 =	vadd.f32 v3, v5;
	_ =	sdelay $0x1  }
0xee: {  	v3 =	vmul.f32 $5.000000000e-01, v3;
	_ =	sdelay $0x1  }
0xef: {  	v3 =	vadd.f32 $9.999999740e-06, v3;
	_ =	sdelay $0x1  }
0xf0: {  	(erf) = vrcp.f32 v3;
	_ =	sdelay $0x7  }
0xf1: {  	s31 =	simm.s32 $0x80;
	[tilespmem:s26+$0x0] =	vst v4  }
0xf2: {  	v6 =	vld [tilespmem:s31+$0x0];
	v4 =	vpop (erf)  }
0xf3: {  	v4 =	vmul.f32 $3.000000000e+00, v4;
	_ =	sdelay $0x1  }
0xf4: {  	v5 =	vmul.f32 v4, v2;
	_ =	sdelay $0x1  }
0xf5: {  	v7 =	vmul.f32 v6, v4;
	v5 =	vsub.f32 $3.500000000e+00, v5;
	_ =	sdelay $0x1  }
0xf6: {  	s28 =	simm.s32 $0x2;
	v7 =	vadd.f32 v7, v5  }
0xf7: {  	v8 =	vmov s28  }
0xf8: {  	v9 =	vshll.u32 v8, $0x3;
	v7 =	vmax.f32 v7, $5.000000000e-01  }
0xf9: {  	v8 =	vand.u32 $0x7A, v8;
	v9 =	vand.u32 $0xC00, v9;
	v7 =	vmin.f32 v7, $6.500000000e+00  }
0xfa: {  	v8 =	vor.u32 v9, v8;
	v7 =	vtrunc.f32 v7  }
0xfb: {  	v8 =	vor.u32 v1, v8;
	v7 =	vcvt.f32.s32 v7;
	_ =	sdelay $0x4  }
0xfc: {  	[tilespmem:v8+s25+$0x0] =	vst.idx.msk $0xffff, v7  }
0xfd: {  	v7 =	vld.idx.msk [tilespmem:v7+s3+$0x0], $0xffff;
	_ =	sdelay $0x4  }
0xfe: {  	v7 =	vmul.f32 v7, v3;
	_ =	sdelay $0x1  }
0xff: {  	v7 =	vadd.f32 v7, v2;
	_ =	sdelay $0x1  }
0x100: {  	v8 =	vsub.f32 v6, v7;
	_ =	sdelay $0x1  }
0x101: {  	s26 =	simm.s32 $0x90;
	v6 =	vimm.f32 $0.0e+00;
	[tilespmem:s31+$0x0] =	vst v8;
	v9 =	vmul.f32 v8, v8  }
0x102: {  	s29 =	simm.s32 $0x12;
	s28 =	simm.s32 $0xA;
	v7 =	vadd.f32 v8, v6;
	v8 =	vld [tilespmem:s26+$0x0]  }
.LBB2_9:
0x103: {  	p1 =	sne.s32 s29, $0x1FA;
	v6 =	vadd.f32 v9, v6;
	s30 =	smov.u32 s29;
	s29 =	sadd.s32 $0x8, s29  }
0x104: {  	_ =	sdelay $0x2  }
0x105: {  	v9 =	vmul.f32 v8, v4;
	_ =	sdelay $0x1  }
0x106: {  	v9 =	vadd.f32 v9, v5  }
0x107: {  	v10 =	vmov s28;
	s28 =	smov.u32 s30  }
0x108: {  	v11 =	vshll.u32 v10, $0x3;
	v9 =	vmax.f32 v9, $5.000000000e-01  }
0x109: {  	v10 =	vand.u32 $0x7A, v10;
	v11 =	vand.u32 $0xC00, v11;
	v9 =	vmin.f32 v9, $6.500000000e+00  }
0x10a: {  	v10 =	vor.u32 v11, v10;
	v9 =	vtrunc.f32 v9  }
0x10b: {  	v10 =	vor.u32 v1, v10;
	v9 =	vcvt.f32.s32 v9;
	_ =	sdelay $0x4  }
0x10c: {  	[tilespmem:v10+s25+$0x0] =	vst.idx.msk $0xffff, v9  }
0x10d: {  	v9 =	vld.idx.msk [tilespmem:v9+s3+$0x0], $0xffff;
	_ =	sdelay $0x5  }
0x10e: {  	v9 =	vmul.f32 v9, v3;
	_ =	sdelay $0x1  }
0x10f: {  	v9 =	vadd.f32 v9, v2  }
.Ltmp3:
0x110: {  	(pc) =	sbr.rel @p1 .LBB2_9-.Ltmp3, $3  }
0x111: {  	v8 =	vsub.f32 v8, v9;
	_ =	sdelay $0x1  }
0x112: {  	v7 =	vadd.f32 v8, v7;
	v9 =	vmul.f32 v8, v8;
	[tilespmem:s26+$0x0] =	vst v8;
	s26 =	sadd.s32 $0x10, s26  }
0x113: {  	v8 =	vld [tilespmem:s26+$0x0]  }
0x114: {  	_ =	sdelay $0x3  }
0x115: {  	v4 =	vmul.f32 v8, v4;
	_ =	sdelay $0x1  }
0x116: {  	v4 =	vadd.f32 v4, v5  }
0x117: {  	v5 =	vmov s28  }
0x118: {  	v10 =	vshll.u32 v5, $0x3;
	v4 =	vmax.f32 v4, $5.000000000e-01  }
0x119: {  	v5 =	vand.u32 $0x7A, v5;
	v10 =	vand.u32 $0xC00, v10;
	v4 =	vmin.f32 v4, $6.500000000e+00  }
0x11a: {  	v5 =	vor.u32 v10, v5;
	v4 =	vtrunc.f32 v4  }
0x11b: {  	v5 =	vor.u32 v1, v5;
	v4 =	vcvt.f32.s32 v4;
	_ =	sdelay $0x4  }
0x11c: {  	[tilespmem:v5+s25+$0x0] =	vst.idx.msk $0xffff, v4  }
0x11d: {  	v4 =	vld.idx.msk [tilespmem:v4+s3+$0x0], $0xffff;
	_ =	sdelay $0x4  }
0x11e: {  	v3 =	vmul.f32 v4, v3;
	_ =	sdelay $0x1  }
0x11f: {  	v2 =	vadd.f32 v3, v2;
	_ =	sdelay $0x1  }
0x120: {  	v4 =	vsub.f32 v8, v2;
	_ =	sdelay $0x1  }
0x121: {  	v3 =	vadd.f32 v4, v7;
	_ =	sdelay $0x1  }
0x122: {  	v5 =	vadd.f32 v9, v6;
	v6 =	vmul.f32 v4, v4;
	v2 =	vmul.f32 $1.562500000e-02, v3;
	_ =	sdelay $0x1  }
0x123: {  	v5 =	vadd.f32 v6, v5;
	v3 =	vmul.f32 v2, v3;
	_ =	sdelay $0x1  }
0x124: {  	v3 =	vsub.f32 v5, v3;
	_ =	sdelay $0x1  }
0x125: {  	v3 =	vmul.f32 $1.587301680e-02, v3;
	_ =	sdelay $0x1  }
0x126: {  	v3 =	vmax.f32 v3, $1.000000000e-30  }
0x127: {  	v5 =	vshra.s32 v3, $0x1;
	v6 =	vmul.f32 $5.000000000e-01, v3  }
0x128: {  	v5 =	vsub.s32 $0x5F3759DF, v5  }
0x129: {  	v7 =	vmul.f32 v5, v6;
	_ =	sdelay $0x1  }
0x12a: {  	v7 =	vmul.f32 v5, v7;
	_ =	sdelay $0x1  }
0x12b: {  	v7 =	vsub.f32 $1.500000000e+00, v7;
	_ =	sdelay $0x1  }
0x12c: {  	v5 =	vmul.f32 v5, v7;
	_ =	sdelay $0x1  }
0x12d: {  	v6 =	vmul.f32 v5, v6;
	_ =	sdelay $0x1  }
0x12e: {  	v6 =	vmul.f32 v6, v5;
	_ =	sdelay $0x1  }
0x12f: {  	v6 =	vsub.f32 $1.500000000e+00, v6;
	_ =	sdelay $0x1  }
0x130: {  	v5 =	vmul.f32 v6, v5;
	_ =	sdelay $0x1  }
0x131: {  	v5 =	vmul.f32 v5, v3;
	_ =	sdelay $0x1  }
0x132: {  	(erf) = vrcp.f32 v5;
	_ =	sdelay $0x8  }
0x133: {  	v6 =	vpop (erf)  }
0x134: {  	v3 =	vmul.f32 v6, v3;
	_ =	sdelay $0x1  }
0x135: {  	v3 =	vadd.f32 v3, v5;
	_ =	sdelay $0x1  }
0x136: {  	v3 =	vmul.f32 $5.000000000e-01, v3;
	_ =	sdelay $0x1  }
0x137: {  	v3 =	vadd.f32 $9.999999740e-06, v3;
	_ =	sdelay $0x1  }
0x138: {  	(erf) = vrcp.f32 v3;
	_ =	sdelay $0x7  }
0x139: {  	s31 =	simm.s32 $0x80;
	[tilespmem:s26+$0x0] =	vst v4  }
0x13a: {  	v6 =	vld [tilespmem:s31+$0x0];
	v4 =	vpop (erf)  }
0x13b: {  	v4 =	vmul.f32 $3.000000000e+00, v4;
	_ =	sdelay $0x1  }
0x13c: {  	v5 =	vmul.f32 v4, v2;
	_ =	sdelay $0x1  }
0x13d: {  	v7 =	vmul.f32 v6, v4;
	v5 =	vsub.f32 $3.500000000e+00, v5;
	_ =	sdelay $0x1  }
0x13e: {  	s28 =	simm.s32 $0x3;
	v7 =	vadd.f32 v7, v5  }
0x13f: {  	v8 =	vmov s28  }
0x140: {  	v9 =	vshll.u32 v8, $0x3;
	v7 =	vmax.f32 v7, $5.000000000e-01  }
0x141: {  	v8 =	vand.u32 $0x7B, v8;
	v9 =	vand.u32 $0xC00, v9;
	v7 =	vmin.f32 v7, $6.500000000e+00  }
0x142: {  	v8 =	vor.u32 v9, v8;
	v7 =	vtrunc.f32 v7  }
0x143: {  	v8 =	vor.u32 v1, v8;
	v7 =	vcvt.f32.s32 v7;
	_ =	sdelay $0x4  }
0x144: {  	[tilespmem:v8+s25+$0x0] =	vst.idx.msk $0xffff, v7  }
0x145: {  	v7 =	vld.idx.msk [tilespmem:v7+s3+$0x0], $0xffff;
	_ =	sdelay $0x4  }
0x146: {  	v7 =	vmul.f32 v7, v3;
	_ =	sdelay $0x1  }
0x147: {  	v7 =	vadd.f32 v7, v2;
	_ =	sdelay $0x1  }
0x148: {  	v8 =	vsub.f32 v6, v7;
	_ =	sdelay $0x1  }
0x149: {  	s26 =	simm.s32 $0x90;
	v6 =	vimm.f32 $0.0e+00;
	[tilespmem:s31+$0x0] =	vst v8;
	v9 =	vmul.f32 v8, v8  }
0x14a: {  	s29 =	simm.s32 $0x13;
	s28 =	simm.s32 $0xB;
	v7 =	vadd.f32 v8, v6;
	v8 =	vld [tilespmem:s26+$0x0]  }
.LBB2_11:
0x14b: {  	p1 =	sne.s32 s29, $0x1FB;
	v6 =	vadd.f32 v9, v6;
	s30 =	smov.u32 s29;
	s29 =	sadd.s32 $0x8, s29  }
0x14c: {  	_ =	sdelay $0x2  }
0x14d: {  	v9 =	vmul.f32 v8, v4;
	_ =	sdelay $0x1  }
0x14e: {  	v9 =	vadd.f32 v9, v5  }
0x14f: {  	v10 =	vmov s28;
	s28 =	smov.u32 s30  }
0x150: {  	v11 =	vshll.u32 v10, $0x3;
	v9 =	vmax.f32 v9, $5.000000000e-01  }
0x151: {  	v10 =	vand.u32 $0x7B, v10;
	v11 =	vand.u32 $0xC00, v11;
	v9 =	vmin.f32 v9, $6.500000000e+00  }
0x152: {  	v10 =	vor.u32 v11, v10;
	v9 =	vtrunc.f32 v9  }
0x153: {  	v10 =	vor.u32 v1, v10;
	v9 =	vcvt.f32.s32 v9;
	_ =	sdelay $0x4  }
0x154: {  	[tilespmem:v10+s25+$0x0] =	vst.idx.msk $0xffff, v9  }
0x155: {  	v9 =	vld.idx.msk [tilespmem:v9+s3+$0x0], $0xffff;
	_ =	sdelay $0x5  }
0x156: {  	v9 =	vmul.f32 v9, v3;
	_ =	sdelay $0x1  }
0x157: {  	v9 =	vadd.f32 v9, v2  }
.Ltmp4:
0x158: {  	(pc) =	sbr.rel @p1 .LBB2_11-.Ltmp4, $3  }
0x159: {  	v8 =	vsub.f32 v8, v9;
	_ =	sdelay $0x1  }
0x15a: {  	v7 =	vadd.f32 v8, v7;
	v9 =	vmul.f32 v8, v8;
	[tilespmem:s26+$0x0] =	vst v8;
	s26 =	sadd.s32 $0x10, s26  }
0x15b: {  	v8 =	vld [tilespmem:s26+$0x0]  }
0x15c: {  	_ =	sdelay $0x3  }
0x15d: {  	v4 =	vmul.f32 v8, v4;
	_ =	sdelay $0x1  }
0x15e: {  	v4 =	vadd.f32 v4, v5  }
0x15f: {  	v5 =	vmov s28  }
0x160: {  	v10 =	vshll.u32 v5, $0x3;
	v4 =	vmax.f32 v4, $5.000000000e-01  }
0x161: {  	v5 =	vand.u32 $0x7B, v5;
	v10 =	vand.u32 $0xC00, v10;
	v4 =	vmin.f32 v4, $6.500000000e+00  }
0x162: {  	v5 =	vor.u32 v10, v5;
	v4 =	vtrunc.f32 v4  }
0x163: {  	v5 =	vor.u32 v1, v5;
	v4 =	vcvt.f32.s32 v4;
	_ =	sdelay $0x4  }
0x164: {  	[tilespmem:v5+s25+$0x0] =	vst.idx.msk $0xffff, v4  }
0x165: {  	v4 =	vld.idx.msk [tilespmem:v4+s3+$0x0], $0xffff;
	_ =	sdelay $0x4  }
0x166: {  	v3 =	vmul.f32 v4, v3;
	_ =	sdelay $0x1  }
0x167: {  	v2 =	vadd.f32 v3, v2;
	_ =	sdelay $0x1  }
0x168: {  	v4 =	vsub.f32 v8, v2;
	_ =	sdelay $0x1  }
0x169: {  	v3 =	vadd.f32 v4, v7;
	_ =	sdelay $0x1  }
0x16a: {  	v5 =	vadd.f32 v9, v6;
	v6 =	vmul.f32 v4, v4;
	v2 =	vmul.f32 $1.562500000e-02, v3;
	_ =	sdelay $0x1  }
0x16b: {  	v5 =	vadd.f32 v6, v5;
	v3 =	vmul.f32 v2, v3;
	_ =	sdelay $0x1  }
0x16c: {  	v3 =	vsub.f32 v5, v3;
	_ =	sdelay $0x1  }
0x16d: {  	v3 =	vmul.f32 $1.587301680e-02, v3;
	_ =	sdelay $0x1  }
0x16e: {  	v3 =	vmax.f32 v3, $1.000000000e-30  }
0x16f: {  	v5 =	vshra.s32 v3, $0x1;
	v6 =	vmul.f32 $5.000000000e-01, v3  }
0x170: {  	v5 =	vsub.s32 $0x5F3759DF, v5  }
0x171: {  	v7 =	vmul.f32 v5, v6;
	_ =	sdelay $0x1  }
0x172: {  	v7 =	vmul.f32 v5, v7;
	_ =	sdelay $0x1  }
0x173: {  	v7 =	vsub.f32 $1.500000000e+00, v7;
	_ =	sdelay $0x1  }
0x174: {  	v5 =	vmul.f32 v5, v7;
	_ =	sdelay $0x1  }
0x175: {  	v6 =	vmul.f32 v5, v6;
	_ =	sdelay $0x1  }
0x176: {  	v6 =	vmul.f32 v6, v5;
	_ =	sdelay $0x1  }
0x177: {  	v6 =	vsub.f32 $1.500000000e+00, v6;
	_ =	sdelay $0x1  }
0x178: {  	v5 =	vmul.f32 v6, v5;
	_ =	sdelay $0x1  }
0x179: {  	v5 =	vmul.f32 v5, v3;
	_ =	sdelay $0x1  }
0x17a: {  	(erf) = vrcp.f32 v5;
	_ =	sdelay $0x8  }
0x17b: {  	v6 =	vpop (erf)  }
0x17c: {  	v3 =	vmul.f32 v6, v3;
	_ =	sdelay $0x1  }
0x17d: {  	v3 =	vadd.f32 v3, v5;
	_ =	sdelay $0x1  }
0x17e: {  	v3 =	vmul.f32 $5.000000000e-01, v3;
	_ =	sdelay $0x1  }
0x17f: {  	v3 =	vadd.f32 $9.999999740e-06, v3;
	_ =	sdelay $0x1  }
0x180: {  	(erf) = vrcp.f32 v3;
	_ =	sdelay $0x7  }
0x181: {  	s31 =	simm.s32 $0x80;
	[tilespmem:s26+$0x0] =	vst v4  }
0x182: {  	v6 =	vld [tilespmem:s31+$0x0];
	v4 =	vpop (erf)  }
0x183: {  	v4 =	vmul.f32 $3.000000000e+00, v4;
	_ =	sdelay $0x1  }
0x184: {  	v5 =	vmul.f32 v4, v2;
	_ =	sdelay $0x1  }
0x185: {  	v7 =	vmul.f32 v6, v4;
	v5 =	vsub.f32 $3.500000000e+00, v5;
	_ =	sdelay $0x1  }
0x186: {  	s28 =	simm.s32 $0x4;
	v7 =	vadd.f32 v7, v5  }
0x187: {  	v8 =	vmov s28  }
0x188: {  	v9 =	vshll.u32 v8, $0x3;
	v7 =	vmax.f32 v7, $5.000000000e-01  }
0x189: {  	v8 =	vand.u32 $0x7C, v8;
	v9 =	vand.u32 $0xC00, v9;
	v7 =	vmin.f32 v7, $6.500000000e+00  }
0x18a: {  	v8 =	vor.u32 v9, v8;
	v7 =	vtrunc.f32 v7  }
0x18b: {  	v8 =	vor.u32 v1, v8;
	v7 =	vcvt.f32.s32 v7;
	_ =	sdelay $0x4  }
0x18c: {  	[tilespmem:v8+s25+$0x0] =	vst.idx.msk $0xffff, v7  }
0x18d: {  	v7 =	vld.idx.msk [tilespmem:v7+s3+$0x0], $0xffff;
	_ =	sdelay $0x4  }
0x18e: {  	v7 =	vmul.f32 v7, v3;
	_ =	sdelay $0x1  }
0x18f: {  	v7 =	vadd.f32 v7, v2;
	_ =	sdelay $0x1  }
0x190: {  	v8 =	vsub.f32 v6, v7;
	_ =	sdelay $0x1  }
0x191: {  	s26 =	simm.s32 $0x90;
	v6 =	vimm.f32 $0.0e+00;
	[tilespmem:s31+$0x0] =	vst v8;
	v9 =	vmul.f32 v8, v8  }
0x192: {  	s29 =	simm.s32 $0x14;
	s28 =	simm.s32 $0xC;
	v7 =	vadd.f32 v8, v6;
	v8 =	vld [tilespmem:s26+$0x0]  }
.LBB2_13:
0x193: {  	p1 =	sne.s32 s29, $0x1FC;
	v6 =	vadd.f32 v9, v6;
	s30 =	smov.u32 s29;
	s29 =	sadd.s32 $0x8, s29  }
0x194: {  	_ =	sdelay $0x2  }
0x195: {  	v9 =	vmul.f32 v8, v4;
	_ =	sdelay $0x1  }
0x196: {  	v9 =	vadd.f32 v9, v5  }
0x197: {  	v10 =	vmov s28;
	s28 =	smov.u32 s30  }
0x198: {  	v11 =	vshll.u32 v10, $0x3;
	v9 =	vmax.f32 v9, $5.000000000e-01  }
0x199: {  	v10 =	vand.u32 $0x7C, v10;
	v11 =	vand.u32 $0xC00, v11;
	v9 =	vmin.f32 v9, $6.500000000e+00  }
0x19a: {  	v10 =	vor.u32 v11, v10;
	v9 =	vtrunc.f32 v9  }
0x19b: {  	v10 =	vor.u32 v1, v10;
	v9 =	vcvt.f32.s32 v9;
	_ =	sdelay $0x4  }
0x19c: {  	[tilespmem:v10+s25+$0x0] =	vst.idx.msk $0xffff, v9  }
0x19d: {  	v9 =	vld.idx.msk [tilespmem:v9+s3+$0x0], $0xffff;
	_ =	sdelay $0x5  }
0x19e: {  	v9 =	vmul.f32 v9, v3;
	_ =	sdelay $0x1  }
0x19f: {  	v9 =	vadd.f32 v9, v2  }
.Ltmp5:
0x1a0: {  	(pc) =	sbr.rel @p1 .LBB2_13-.Ltmp5, $3  }
0x1a1: {  	v8 =	vsub.f32 v8, v9;
	_ =	sdelay $0x1  }
0x1a2: {  	v7 =	vadd.f32 v8, v7;
	v9 =	vmul.f32 v8, v8;
	[tilespmem:s26+$0x0] =	vst v8;
	s26 =	sadd.s32 $0x10, s26  }
0x1a3: {  	v8 =	vld [tilespmem:s26+$0x0]  }
0x1a4: {  	_ =	sdelay $0x3  }
0x1a5: {  	v4 =	vmul.f32 v8, v4;
	_ =	sdelay $0x1  }
0x1a6: {  	v4 =	vadd.f32 v4, v5  }
0x1a7: {  	v5 =	vmov s28  }
0x1a8: {  	v10 =	vshll.u32 v5, $0x3;
	v4 =	vmax.f32 v4, $5.000000000e-01  }
0x1a9: {  	v5 =	vand.u32 $0x7C, v5;
	v10 =	vand.u32 $0xC00, v10;
	v4 =	vmin.f32 v4, $6.500000000e+00  }
0x1aa: {  	v5 =	vor.u32 v10, v5;
	v4 =	vtrunc.f32 v4  }
0x1ab: {  	v5 =	vor.u32 v1, v5;
	v4 =	vcvt.f32.s32 v4;
	_ =	sdelay $0x4  }
0x1ac: {  	[tilespmem:v5+s25+$0x0] =	vst.idx.msk $0xffff, v4  }
0x1ad: {  	v4 =	vld.idx.msk [tilespmem:v4+s3+$0x0], $0xffff;
	_ =	sdelay $0x4  }
0x1ae: {  	v3 =	vmul.f32 v4, v3;
	_ =	sdelay $0x1  }
0x1af: {  	v2 =	vadd.f32 v3, v2;
	_ =	sdelay $0x1  }
0x1b0: {  	v4 =	vsub.f32 v8, v2;
	_ =	sdelay $0x1  }
0x1b1: {  	v3 =	vadd.f32 v4, v7;
	_ =	sdelay $0x1  }
0x1b2: {  	v5 =	vadd.f32 v9, v6;
	v6 =	vmul.f32 v4, v4;
	v2 =	vmul.f32 $1.562500000e-02, v3;
	_ =	sdelay $0x1  }
0x1b3: {  	v5 =	vadd.f32 v6, v5;
	v3 =	vmul.f32 v2, v3;
	_ =	sdelay $0x1  }
0x1b4: {  	v3 =	vsub.f32 v5, v3;
	_ =	sdelay $0x1  }
0x1b5: {  	v3 =	vmul.f32 $1.587301680e-02, v3;
	_ =	sdelay $0x1  }
0x1b6: {  	v3 =	vmax.f32 v3, $1.000000000e-30  }
0x1b7: {  	v5 =	vshra.s32 v3, $0x1;
	v6 =	vmul.f32 $5.000000000e-01, v3  }
0x1b8: {  	v5 =	vsub.s32 $0x5F3759DF, v5  }
0x1b9: {  	v7 =	vmul.f32 v5, v6;
	_ =	sdelay $0x1  }
0x1ba: {  	v7 =	vmul.f32 v5, v7;
	_ =	sdelay $0x1  }
0x1bb: {  	v7 =	vsub.f32 $1.500000000e+00, v7;
	_ =	sdelay $0x1  }
0x1bc: {  	v5 =	vmul.f32 v5, v7;
	_ =	sdelay $0x1  }
0x1bd: {  	v6 =	vmul.f32 v5, v6;
	_ =	sdelay $0x1  }
0x1be: {  	v6 =	vmul.f32 v6, v5;
	_ =	sdelay $0x1  }
0x1bf: {  	v6 =	vsub.f32 $1.500000000e+00, v6;
	_ =	sdelay $0x1  }
0x1c0: {  	v5 =	vmul.f32 v6, v5;
	_ =	sdelay $0x1  }
0x1c1: {  	v5 =	vmul.f32 v5, v3;
	_ =	sdelay $0x1  }
0x1c2: {  	(erf) = vrcp.f32 v5;
	_ =	sdelay $0x8  }
0x1c3: {  	v6 =	vpop (erf)  }
0x1c4: {  	v3 =	vmul.f32 v6, v3;
	_ =	sdelay $0x1  }
0x1c5: {  	v3 =	vadd.f32 v3, v5;
	_ =	sdelay $0x1  }
0x1c6: {  	v3 =	vmul.f32 $5.000000000e-01, v3;
	_ =	sdelay $0x1  }
0x1c7: {  	v3 =	vadd.f32 $9.999999740e-06, v3;
	_ =	sdelay $0x1  }
0x1c8: {  	(erf) = vrcp.f32 v3;
	_ =	sdelay $0x7  }
0x1c9: {  	s31 =	simm.s32 $0x80;
	[tilespmem:s26+$0x0] =	vst v4  }
0x1ca: {  	v6 =	vld [tilespmem:s31+$0x0];
	v4 =	vpop (erf)  }
0x1cb: {  	v4 =	vmul.f32 $3.000000000e+00, v4;
	_ =	sdelay $0x1  }
0x1cc: {  	v5 =	vmul.f32 v4, v2;
	_ =	sdelay $0x1  }
0x1cd: {  	v7 =	vmul.f32 v6, v4;
	v5 =	vsub.f32 $3.500000000e+00, v5;
	_ =	sdelay $0x1  }
0x1ce: {  	s28 =	simm.s32 $0x5;
	v7 =	vadd.f32 v7, v5  }
0x1cf: {  	v8 =	vmov s28  }
0x1d0: {  	v9 =	vshll.u32 v8, $0x3;
	v7 =	vmax.f32 v7, $5.000000000e-01  }
0x1d1: {  	v8 =	vand.u32 $0x7D, v8;
	v9 =	vand.u32 $0xC00, v9;
	v7 =	vmin.f32 v7, $6.500000000e+00  }
0x1d2: {  	v8 =	vor.u32 v9, v8;
	v7 =	vtrunc.f32 v7  }
0x1d3: {  	v8 =	vor.u32 v1, v8;
	v7 =	vcvt.f32.s32 v7;
	_ =	sdelay $0x4  }
0x1d4: {  	[tilespmem:v8+s25+$0x0] =	vst.idx.msk $0xffff, v7  }
0x1d5: {  	v7 =	vld.idx.msk [tilespmem:v7+s3+$0x0], $0xffff;
	_ =	sdelay $0x4  }
0x1d6: {  	v7 =	vmul.f32 v7, v3;
	_ =	sdelay $0x1  }
0x1d7: {  	v7 =	vadd.f32 v7, v2;
	_ =	sdelay $0x1  }
0x1d8: {  	v8 =	vsub.f32 v6, v7;
	_ =	sdelay $0x1  }
0x1d9: {  	s26 =	simm.s32 $0x90;
	v6 =	vimm.f32 $0.0e+00;
	[tilespmem:s31+$0x0] =	vst v8;
	v9 =	vmul.f32 v8, v8  }
0x1da: {  	s29 =	simm.s32 $0x15;
	s28 =	simm.s32 $0xD;
	v7 =	vadd.f32 v8, v6;
	v8 =	vld [tilespmem:s26+$0x0]  }
.LBB2_15:
0x1db: {  	p1 =	sne.s32 s29, $0x1FD;
	v6 =	vadd.f32 v9, v6;
	s30 =	smov.u32 s29;
	s29 =	sadd.s32 $0x8, s29  }
0x1dc: {  	_ =	sdelay $0x2  }
0x1dd: {  	v9 =	vmul.f32 v8, v4;
	_ =	sdelay $0x1  }
0x1de: {  	v9 =	vadd.f32 v9, v5  }
0x1df: {  	v10 =	vmov s28;
	s28 =	smov.u32 s30  }
0x1e0: {  	v11 =	vshll.u32 v10, $0x3;
	v9 =	vmax.f32 v9, $5.000000000e-01  }
0x1e1: {  	v10 =	vand.u32 $0x7D, v10;
	v11 =	vand.u32 $0xC00, v11;
	v9 =	vmin.f32 v9, $6.500000000e+00  }
0x1e2: {  	v10 =	vor.u32 v11, v10;
	v9 =	vtrunc.f32 v9  }
0x1e3: {  	v10 =	vor.u32 v1, v10;
	v9 =	vcvt.f32.s32 v9;
	_ =	sdelay $0x4  }
0x1e4: {  	[tilespmem:v10+s25+$0x0] =	vst.idx.msk $0xffff, v9  }
0x1e5: {  	v9 =	vld.idx.msk [tilespmem:v9+s3+$0x0], $0xffff;
	_ =	sdelay $0x5  }
0x1e6: {  	v9 =	vmul.f32 v9, v3;
	_ =	sdelay $0x1  }
0x1e7: {  	v9 =	vadd.f32 v9, v2  }
.Ltmp6:
0x1e8: {  	(pc) =	sbr.rel @p1 .LBB2_15-.Ltmp6, $3  }
0x1e9: {  	v8 =	vsub.f32 v8, v9;
	_ =	sdelay $0x1  }
0x1ea: {  	v7 =	vadd.f32 v8, v7;
	v9 =	vmul.f32 v8, v8;
	[tilespmem:s26+$0x0] =	vst v8;
	s26 =	sadd.s32 $0x10, s26  }
0x1eb: {  	v8 =	vld [tilespmem:s26+$0x0]  }
0x1ec: {  	_ =	sdelay $0x3  }
0x1ed: {  	v4 =	vmul.f32 v8, v4;
	_ =	sdelay $0x1  }
0x1ee: {  	v4 =	vadd.f32 v4, v5  }
0x1ef: {  	v5 =	vmov s28  }
0x1f0: {  	v10 =	vshll.u32 v5, $0x3;
	v4 =	vmax.f32 v4, $5.000000000e-01  }
0x1f1: {  	v5 =	vand.u32 $0x7D, v5;
	v10 =	vand.u32 $0xC00, v10;
	v4 =	vmin.f32 v4, $6.500000000e+00  }
0x1f2: {  	v5 =	vor.u32 v10, v5;
	v4 =	vtrunc.f32 v4  }
0x1f3: {  	v5 =	vor.u32 v1, v5;
	v4 =	vcvt.f32.s32 v4;
	_ =	sdelay $0x4  }
0x1f4: {  	[tilespmem:v5+s25+$0x0] =	vst.idx.msk $0xffff, v4  }
0x1f5: {  	v4 =	vld.idx.msk [tilespmem:v4+s3+$0x0], $0xffff;
	_ =	sdelay $0x4  }
0x1f6: {  	v3 =	vmul.f32 v4, v3;
	_ =	sdelay $0x1  }
0x1f7: {  	v2 =	vadd.f32 v3, v2;
	_ =	sdelay $0x1  }
0x1f8: {  	v4 =	vsub.f32 v8, v2;
	_ =	sdelay $0x1  }
0x1f9: {  	v3 =	vadd.f32 v4, v7;
	_ =	sdelay $0x1  }
0x1fa: {  	v5 =	vadd.f32 v9, v6;
	v6 =	vmul.f32 v4, v4;
	v2 =	vmul.f32 $1.562500000e-02, v3;
	_ =	sdelay $0x1  }
0x1fb: {  	v5 =	vadd.f32 v6, v5;
	v3 =	vmul.f32 v2, v3;
	_ =	sdelay $0x1  }
0x1fc: {  	v3 =	vsub.f32 v5, v3;
	_ =	sdelay $0x1  }
0x1fd: {  	v3 =	vmul.f32 $1.587301680e-02, v3;
	_ =	sdelay $0x1  }
0x1fe: {  	v3 =	vmax.f32 v3, $1.000000000e-30  }
0x1ff: {  	v5 =	vshra.s32 v3, $0x1;
	v6 =	vmul.f32 $5.000000000e-01, v3  }
0x200: {  	v5 =	vsub.s32 $0x5F3759DF, v5  }
0x201: {  	v7 =	vmul.f32 v5, v6;
	_ =	sdelay $0x1  }
0x202: {  	v7 =	vmul.f32 v5, v7;
	_ =	sdelay $0x1  }
0x203: {  	v7 =	vsub.f32 $1.500000000e+00, v7;
	_ =	sdelay $0x1  }
0x204: {  	v5 =	vmul.f32 v5, v7;
	_ =	sdelay $0x1  }
0x205: {  	v6 =	vmul.f32 v5, v6;
	_ =	sdelay $0x1  }
0x206: {  	v6 =	vmul.f32 v6, v5;
	_ =	sdelay $0x1  }
0x207: {  	v6 =	vsub.f32 $1.500000000e+00, v6;
	_ =	sdelay $0x1  }
0x208: {  	v5 =	vmul.f32 v6, v5;
	_ =	sdelay $0x1  }
0x209: {  	v5 =	vmul.f32 v5, v3;
	_ =	sdelay $0x1  }
0x20a: {  	(erf) = vrcp.f32 v5;
	_ =	sdelay $0x8  }
0x20b: {  	v6 =	vpop (erf)  }
0x20c: {  	v3 =	vmul.f32 v6, v3;
	_ =	sdelay $0x1  }
0x20d: {  	v3 =	vadd.f32 v3, v5;
	_ =	sdelay $0x1  }
0x20e: {  	v3 =	vmul.f32 $5.000000000e-01, v3;
	_ =	sdelay $0x1  }
0x20f: {  	v3 =	vadd.f32 $9.999999740e-06, v3;
	_ =	sdelay $0x1  }
0x210: {  	(erf) = vrcp.f32 v3;
	_ =	sdelay $0x7  }
0x211: {  	s31 =	simm.s32 $0x80;
	[tilespmem:s26+$0x0] =	vst v4  }
0x212: {  	v6 =	vld [tilespmem:s31+$0x0];
	v4 =	vpop (erf)  }
0x213: {  	v4 =	vmul.f32 $3.000000000e+00, v4;
	_ =	sdelay $0x1  }
0x214: {  	v5 =	vmul.f32 v4, v2;
	_ =	sdelay $0x1  }
0x215: {  	v7 =	vmul.f32 v6, v4;
	v5 =	vsub.f32 $3.500000000e+00, v5;
	_ =	sdelay $0x1  }
0x216: {  	s28 =	simm.s32 $0x6;
	v7 =	vadd.f32 v7, v5  }
0x217: {  	v8 =	vmov s28  }
0x218: {  	v9 =	vshll.u32 v8, $0x3;
	v7 =	vmax.f32 v7, $5.000000000e-01  }
0x219: {  	v8 =	vand.u32 $0x7E, v8;
	v9 =	vand.u32 $0xC00, v9;
	v7 =	vmin.f32 v7, $6.500000000e+00  }
0x21a: {  	v8 =	vor.u32 v9, v8;
	v7 =	vtrunc.f32 v7  }
0x21b: {  	v8 =	vor.u32 v1, v8;
	v7 =	vcvt.f32.s32 v7;
	_ =	sdelay $0x4  }
0x21c: {  	[tilespmem:v8+s25+$0x0] =	vst.idx.msk $0xffff, v7  }
0x21d: {  	v7 =	vld.idx.msk [tilespmem:v7+s3+$0x0], $0xffff;
	_ =	sdelay $0x4  }
0x21e: {  	v7 =	vmul.f32 v7, v3;
	_ =	sdelay $0x1  }
0x21f: {  	v7 =	vadd.f32 v7, v2;
	_ =	sdelay $0x1  }
0x220: {  	v8 =	vsub.f32 v6, v7;
	_ =	sdelay $0x1  }
0x221: {  	s26 =	simm.s32 $0x90;
	v6 =	vimm.f32 $0.0e+00;
	[tilespmem:s31+$0x0] =	vst v8;
	v9 =	vmul.f32 v8, v8  }
0x222: {  	s29 =	simm.s32 $0x16;
	s28 =	simm.s32 $0xE;
	v7 =	vadd.f32 v8, v6;
	v8 =	vld [tilespmem:s26+$0x0]  }
.LBB2_17:
0x223: {  	p1 =	sne.s32 s29, $0x1FE;
	v6 =	vadd.f32 v9, v6;
	s30 =	smov.u32 s29;
	s29 =	sadd.s32 $0x8, s29  }
0x224: {  	_ =	sdelay $0x2  }
0x225: {  	v9 =	vmul.f32 v8, v4;
	_ =	sdelay $0x1  }
0x226: {  	v9 =	vadd.f32 v9, v5  }
0x227: {  	v10 =	vmov s28;
	s28 =	smov.u32 s30  }
0x228: {  	v11 =	vshll.u32 v10, $0x3;
	v9 =	vmax.f32 v9, $5.000000000e-01  }
0x229: {  	v10 =	vand.u32 $0x7E, v10;
	v11 =	vand.u32 $0xC00, v11;
	v9 =	vmin.f32 v9, $6.500000000e+00  }
0x22a: {  	v10 =	vor.u32 v11, v10;
	v9 =	vtrunc.f32 v9  }
0x22b: {  	v10 =	vor.u32 v1, v10;
	v9 =	vcvt.f32.s32 v9;
	_ =	sdelay $0x4  }
0x22c: {  	[tilespmem:v10+s25+$0x0] =	vst.idx.msk $0xffff, v9  }
0x22d: {  	v9 =	vld.idx.msk [tilespmem:v9+s3+$0x0], $0xffff;
	_ =	sdelay $0x5  }
0x22e: {  	v9 =	vmul.f32 v9, v3;
	_ =	sdelay $0x1  }
0x22f: {  	v9 =	vadd.f32 v9, v2  }
.Ltmp7:
0x230: {  	(pc) =	sbr.rel @p1 .LBB2_17-.Ltmp7, $3  }
0x231: {  	v8 =	vsub.f32 v8, v9;
	_ =	sdelay $0x1  }
0x232: {  	v7 =	vadd.f32 v8, v7;
	v9 =	vmul.f32 v8, v8;
	[tilespmem:s26+$0x0] =	vst v8;
	s26 =	sadd.s32 $0x10, s26  }
0x233: {  	v8 =	vld [tilespmem:s26+$0x0]  }
0x234: {  	_ =	sdelay $0x3  }
0x235: {  	v4 =	vmul.f32 v8, v4;
	_ =	sdelay $0x1  }
0x236: {  	v4 =	vadd.f32 v4, v5  }
0x237: {  	v5 =	vmov s28  }
0x238: {  	v10 =	vshll.u32 v5, $0x3;
	v4 =	vmax.f32 v4, $5.000000000e-01  }
0x239: {  	v5 =	vand.u32 $0x7E, v5;
	v10 =	vand.u32 $0xC00, v10;
	v4 =	vmin.f32 v4, $6.500000000e+00  }
0x23a: {  	v5 =	vor.u32 v10, v5;
	v4 =	vtrunc.f32 v4  }
0x23b: {  	v5 =	vor.u32 v1, v5;
	v4 =	vcvt.f32.s32 v4;
	_ =	sdelay $0x4  }
0x23c: {  	[tilespmem:v5+s25+$0x0] =	vst.idx.msk $0xffff, v4  }
0x23d: {  	v4 =	vld.idx.msk [tilespmem:v4+s3+$0x0], $0xffff;
	_ =	sdelay $0x4  }
0x23e: {  	v3 =	vmul.f32 v4, v3;
	_ =	sdelay $0x1  }
0x23f: {  	v2 =	vadd.f32 v3, v2;
	_ =	sdelay $0x1  }
0x240: {  	v5 =	vsub.f32 v8, v2;
	_ =	sdelay $0x1  }
0x241: {  	v3 =	vadd.f32 v5, v7;
	_ =	sdelay $0x1  }
0x242: {  	v4 =	vadd.f32 v9, v6;
	v6 =	vmul.f32 v5, v5;
	v2 =	vmul.f32 $1.562500000e-02, v3;
	_ =	sdelay $0x1  }
0x243: {  	v4 =	vadd.f32 v6, v4;
	v3 =	vmul.f32 v2, v3;
	_ =	sdelay $0x1  }
0x244: {  	v3 =	vsub.f32 v4, v3;
	_ =	sdelay $0x1  }
0x245: {  	v3 =	vmul.f32 $1.587301680e-02, v3;
	_ =	sdelay $0x1  }
0x246: {  	v3 =	vmax.f32 v3, $1.000000000e-30  }
0x247: {  	v4 =	vshra.s32 v3, $0x1;
	v6 =	vmul.f32 $5.000000000e-01, v3  }
0x248: {  	v4 =	vsub.s32 $0x5F3759DF, v4  }
0x249: {  	v7 =	vmul.f32 v4, v6;
	_ =	sdelay $0x1  }
0x24a: {  	v7 =	vmul.f32 v4, v7;
	_ =	sdelay $0x1  }
0x24b: {  	v7 =	vsub.f32 $1.500000000e+00, v7;
	_ =	sdelay $0x1  }
0x24c: {  	v4 =	vmul.f32 v4, v7;
	_ =	sdelay $0x1  }
0x24d: {  	v6 =	vmul.f32 v4, v6;
	_ =	sdelay $0x1  }
0x24e: {  	v6 =	vmul.f32 v6, v4;
	_ =	sdelay $0x1  }
0x24f: {  	v6 =	vsub.f32 $1.500000000e+00, v6;
	_ =	sdelay $0x1  }
0x250: {  	v4 =	vmul.f32 v6, v4;
	_ =	sdelay $0x1  }
0x251: {  	v4 =	vmul.f32 v4, v3;
	_ =	sdelay $0x1  }
0x252: {  	(erf) = vrcp.f32 v4;
	_ =	sdelay $0x8  }
0x253: {  	v6 =	vpop (erf)  }
0x254: {  	v3 =	vmul.f32 v6, v3;
	_ =	sdelay $0x1  }
0x255: {  	v3 =	vadd.f32 v3, v4;
	_ =	sdelay $0x1  }
0x256: {  	v3 =	vmul.f32 $5.000000000e-01, v3;
	_ =	sdelay $0x1  }
0x257: {  	v3 =	vadd.f32 $9.999999740e-06, v3;
	_ =	sdelay $0x1  }
0x258: {  	(erf) = vrcp.f32 v3;
	_ =	sdelay $0x8  }
0x259: {  	v4 =	vpop (erf)  }
0x25a: {  	v4 =	vmul.f32 $3.000000000e+00, v4;
	_ =	sdelay $0x1  }
0x25b: {  	v6 =	vmul.f32 v4, v2  }
0x25c: {  	[tilespmem:s26+$0x0] =	vst v5;
	s26 =	simm.s32 $0x80  }
0x25d: {  	v5 =	vsub.f32 $3.500000000e+00, v6;
	v6 =	vld [tilespmem:s26+$0x0];
	_ =	sdelay $0x4  }
0x25e: {  	v7 =	vmul.f32 v6, v4;
	_ =	sdelay $0x1  }
0x25f: {  	s28 =	simm.s32 $0x7;
	v7 =	vadd.f32 v7, v5  }
0x260: {  	v8 =	vmov s28  }
0x261: {  	v63 =	vshll.u32 v8, $0x3;
	v7 =	vmax.f32 v7, $5.000000000e-01  }
0x262: {  	v8 =	vand.u32 $0x7F, v8;
	v9 =	vand.u32 $0xC00, v63;
	v7 =	vmin.f32 v7, $6.500000000e+00  }
0x263: {  	v8 =	vor.u32 v9, v8;
	v7 =	vtrunc.f32 v7  }
0x264: {  	v8 =	vor.u32 v1, v8;
	v7 =	vcvt.f32.s32 v7;
	_ =	sdelay $0x4  }
0x265: {  	[tilespmem:v8+s25+$0x0] =	vst.idx.msk $0xffff, v7  }
0x266: {  	v7 =	vld.idx.msk [tilespmem:v7+s3+$0x0], $0xffff;
	_ =	sdelay $0x4  }
0x267: {  	v7 =	vmul.f32 v7, v3;
	_ =	sdelay $0x1  }
0x268: {  	v7 =	vadd.f32 v7, v2;
	_ =	sdelay $0x1  }
0x269: {  	s28 =	simm.s32 $0xF;
	v6 =	vsub.f32 v6, v7  }
.LBB2_19:
0x26a: {  	p1 =	seq.s32 s28, $0x1FF  }
0x26b: {  	s29 =	smov.u32 s28;
	s28 =	sadd.s32 $0x8, s28;
	[tilespmem:s26+$0x0] =	vst v6;
	s26 =	sadd.s32 $0x10, s26  }
0x26c: {  	v6 =	vld [tilespmem:s26+$0x0];
	_ =	sdelay $0x4  }
0x26d: {  	v7 =	vmul.f32 v6, v4;
	_ =	sdelay $0x1  }
0x26e: {  	v7 =	vadd.f32 v7, v5  }
0x26f: {  	v8 =	vmov s29  }
0x270: {  	v9 =	vshll.u32 v8, $0x3;
	v7 =	vmax.f32 v7, $5.000000000e-01  }
0x271: {  	v8 =	vand.u32 $0x7F, v8;
	v9 =	vand.u32 $0xC00, v9;
	v7 =	vmin.f32 v7, $6.500000000e+00  }
0x272: {  	v8 =	vor.u32 v9, v8;
	v7 =	vtrunc.f32 v7  }
0x273: {  	v8 =	vor.u32 v1, v8;
	v7 =	vcvt.f32.s32 v7;
	_ =	sdelay $0x4  }
0x274: {  	[tilespmem:v8+s25+$0x0] =	vst.idx.msk $0xffff, v7  }
0x275: {  	v7 =	vld.idx.msk [tilespmem:v7+s3+$0x0], $0xffff;
	_ =	sdelay $0x5  }
.Ltmp8:
0x276: {  	v7 =	vmul.f32 v7, v3;
	(pc) =	sbr.rel @!p1 .LBB2_19-.Ltmp8, $3  }
0x277: {  	_ = 	snop  }
0x278: {  	v7 =	vadd.f32 v7, v2;
	_ =	sdelay $0x1  }
0x279: {  	v6 =	vsub.f32 v6, v7  }
0x27a: {  	s30 =	simm.s32 $0x0  }
0x27b: {  	v2 =	vmov s30  }
0x27c: {  	v2 =	vand.u32 $0x7F, v2  }
0x27d: {  	v2 =	vbroadcast v2, $0x0;
	_ =	sdelay $0x1  }
0x27e: {  	v2 =	vor.u32 v0, v2;
	_ =	sdelay $0x2  }
0x27f: {  	[tilespmem:s26+$0x0] =	vst v6;
	s26 =	sand.u32 $0x1, s16  }
0x280: {  	s30 =	simm.s32 $0x1;
	s28 =	sshll.u32 s26, $0xB  }
0x281: {  	s29 =	simm.s32 $0x80;
	v4 =	vmov s30;
	s30 =	simm.s32 $0x2;
	s28 =	sor.u32 $0x1480, s28;
	v3 =	vld.idx.msk [tilespmem:v2+s23+$0x0], $0xffff  }
.LBB2_21:
0x282: {  	p1 =	sne.s32 s30, $0x3F;
	v4 =	vand.u32 $0x7F, v4;
	v5 =	vld [tilespmem:s29+$0x0]  }
0x283: {  	v4 =	vbroadcast v4, $0x0;
	_ =	sdelay $0x1  }
0x284: {  	v6 =	vor.u32 v0, v4  }
.Ltmp9:
0x285: {  	(pc) =	sbr.rel @p1 .LBB2_21-.Ltmp9, $3  }
0x286: {  	v3 =	vsub.f32 v3, v5;
	_ =	sdelay $0x1  }
0x287: {  	[tilespmem:v2+s28+$0x0] =	vst.idx.msk $0xffff, v3;
	v2 =	vmov v6  }
0x288: {  	s29 =	sadd.s32 $0x10, s29;
	v4 =	vmov s30;
	s30 =	sadd.s32 $0x1, s30;
	v3 =	vld.idx.msk [tilespmem:v6+s23+$0x0], $0xffff  }
0x289: {  	v4 =	vand.u32 $0x7F, v4;
	v5 =	vld [tilespmem:s29+$0x0]  }
0x28a: {  	v4 =	vbroadcast v4, $0x0;
	_ =	sdelay $0x1  }
0x28b: {  	v4 =	vor.u32 v0, v4;
	_ =	sdelay $0x1  }
0x28c: {  	v3 =	vsub.f32 v3, v5;
	_ =	sdelay $0x1  }
0x28d: {  	[tilespmem:v2+s28+$0x0] =	vst.idx.msk $0xffff, v3  }
0x28e: {  	s31 =	sadd.s32 $0x10, s29;
	v2 =	vld.idx.msk [tilespmem:v4+s23+$0x0], $0xffff  }
0x28f: {  	v3 =	vld [tilespmem:s31+$0x0];
	_ =	sdelay $0x3  }
0x290: {  	p1 =	seq.s32 s19, $0x3F  }
0x291: {  	p2 =	seq.s32 @!p1 s20, s14;
	v2 =	vsub.f32 v2, v3  }
0x292: {  	s20 =	simm.s32 $0x0;
	p1 =	por p1, !p2  }
0x293: {  	s20 =	sshll.u32 @p1 s22, $0x8;
	[tilespmem:v4+s28+$0x0] =	vst.idx.msk $0xffff, v2  }
0x294: {  	s20 =	sand.u32 @p1 $0x1FFFFF00, s20;
	_ =	strace $0x9000004B  }
0x295: {  	s20 =	sadd.s32 @p1 s5, s20;
	s23 =	sadd.s32 @p1 $0x3, s26;
	_ =	strace @p1 $0x8000004C  }
0x296: {  	[hbm4b:s20+s3] =	stream.linear.scatter @p1 [tilespmem:s28], [sflag:s23], $0x800, $0x200038;
	[tilespmem:$0x6480] =	vst v63  }
0x297: {  	s20 =	sshll.u32 @p1 s22, $0xA  }
0x298: {  	s16 =	sadd.s32 @p1 $0x1, s16;
	_ =	strace @p1 $0x9000004C;
	s20 =	sand.u32 @p1 $0x1FFFFC00, s20  }
0x299: {  	s22 =	sadd.s32 @p1 $0x5, s24;
	_ =	strace @p1 $0x8000004D;
	s20 =	sadd.s32 @p1 s6, s20  }
0x29a: {  	[hbm4b:s20+s3] =	stream.linear.scatter @p1 [tilespmem:s25], [sflag:s22], $0x2000, $0x200038;
	[tilespmem:$0x6480] =	vst v63  }
0x29b: {  	s20 =	simm.s32 @p1 $0x1;
	_ =	strace @p1 $0x9000004D;
	p1 =	seq.s32 s19, $0x0  }
0x29c: {  	s22 =	sand.u32 @!p1 $0x1, s21  }
0x29d: {  	_ =	strace @!p1 $0x8000004E;
	s22 =	sadd.s32 @!p1 $0x3, s22  }
0x29e: {  	_ =	swait.ge @!p1 [sflag:s22], $0x800  }
0x29f: {  	[sflag:s22] =	ssyncset.done @!p1 $0x0  }
0x2a0: {  	s19 =	sadd.s32 $0x1, s19;
	[sflag:s22] =	ssyncadd.s32 @!p1 $0xFFFFF800;
	s22 =	sand.u32 @!p1 $0x1, s13  }
0x2a1: {  	_ =	strace @!p1 $0x9000004E;
	s23 =	sadd.s32 @!p1 $0x5, s22;
	s22 =	simm.s32 $0x1  }
0x2a2: {  	_ =	strace @!p1 $0x8000004F;
	s22 =	simm.s32 @!p0 $0x0;
	p0 =	sne.s32 s19, $0x40  }
.Ltmp10:
0x2a3: {  	_ =	swait.ge @!p1 [sflag:s23], $0x2000;
	(pc) =	sbr.rel @p0 .LBB2_2-.Ltmp10, $4  }
0x2a4: {  	s15 =	sadd.s32 s15, s20;
	[sflag:s23] =	ssyncset.done @!p1 $0x0  }
0x2a5: {  	s17 =	sadd.s32 s17, s20;
	[sflag:s23] =	ssyncadd.s32 @!p1 $0xFFFFE000;
	s23 =	simm.s32 @!p1 $0x1  }
0x2a6: {  	s18 =	sadd.s32 s22, s18;
	s22 =	sadd.s32 @!p1 $0x1, s21;
	s23 =	simm.s32 @p1 $0x0  }
0x2a7: {  	s22 =	smov.u32 @p1 s21;
	_ =	strace @!p1 $0x9000004F;
	s13 =	sadd.s32 s13, s23  }
0x2a8: {  	s14 =	sand.u32 $0x1, s22  }
0x2a9: {  	_ =	strace $0x80000050;
	s14 =	sadd.s32 $0x3, s14  }
0x2aa: {  	s12 =	sadd.s32 $0x1, s12;
	_ =	swait.ge [sflag:s14], $0x800  }
0x2ab: {  	s13 =	sand.u32 $0x1, s13;
	p0 =	sne.s32 s12, s9;
	[sflag:s14] =	ssyncset.done $0x0  }
.Ltmp11:
0x2ac: {  	s13 =	sadd.s32 $0x5, s13;
	[sflag:s14] =	ssyncadd.s32 $0xFFFFF800;
	(pc) =	sbr.rel @p0 .LBB2_1-.Ltmp11, $4  }
0x2ad: {  	_ =	swait.ge [sflag:s13], $0x2000  }
0x2ae: {  	[sflag:s13] =	ssyncset.done $0x0  }
0x2af: {  	[sflag:s13] =	ssyncadd.s32 $0xFFFFE000  }
0x2b0: {  	_ =	strace $0x90000050  }
0x2b1: {  	_ =	sfence.sel $0x180000  }
0x2b2: {  	[bflag:$0x0] =	sbarrier.arrive $0xFFFF  }
0x2b3: {  	p0 =	sne.s32 s4, $0x0;
	_ =	strace $0x90000047  }
0x2b4: {  	s0 =	sadd.s32 @!p0 $0x100000, s1;
	[bflag:$0x2] =	sbarrier.arrive $0xFFFF  }
0x2b5: {  	[sflag:s0] =	ssyncadd.tile.s32 @!p0 $0x1;
	_ =	shalt  }
.Lfunc_end2:
_tile_overlayer_lowered:
.L_overlay_start_2:
0x2b6: {  	(tag) =	ssettag $0x2  }
0x2b7: {  	s0 =	rddreg [dreg:$0x0];
	s2 =	stileid.u32  }
0x2b8: {  	s1 =	rddreg [dreg:$0x1];
	p0 =	sne.s32 s2, $0x0  }
0x2b9: {  	s3 =	rddreg [dreg:$0x2];
	[bflag:$0x3] =	sbarrier.arrive $0xFFFF;
	s2 =	simm.s32 @!p0 $0x1C01  }
0x2ba: {  	[timem:s3], [sflag:s2] =	dma.local @!p0 [hbm:s0], s1  }
0x2bb: {  	s0 =	simm.s32 @!p0 $0x1  }
0x2bc: {  	_ =	swait.ge @!p0 [sflag:s0], s1  }
0x2bd: {  	s1 =	ssub.s32 @!p0 $0x0, s1;
	[sflag:s0] =	ssyncset.done @!p0 $0x0  }
0x2be: {  	[sflag:s0] =	ssyncadd.s32 @!p0 s1  }
0x2bf: {  	[bflag:$0x3] =	sbarrier.arrive $0xFFFF  }
0x2c0: {  	_ =	shalt  }

// kernel: sparse-core-data-format-call.1.cloned.1.call-start
scs
called_computation.1_lowered:
.L_overlay_start_0:
0x0: {  	s2 =	sld [smem:$0x3FD9]  }
0x1: {  	s3 =	sld [smem:$0x3FFE];
	_ =	sdelay $0x1  }
0x2: {  	s1 =	srdreg.scid  }
0x3: {  	s0 =	sand.u32 $0x1, s1  }
0x4: {  	s15 =	sshll.u32 s0, $0xA;
	s2 =	sadd.s32 s3, s2  }
0x5: {  	s2 =	sadd.s32 s2, s15  }
0x6: {  	[smem:$0x3FC7] =	sst s2  }
0x7: {  	_ = 	snop  }
0x8: {  	s2 =	sld [smem:$0x3FD0];
	_ =	sdelay $0x2  }
0x9: {  	s16 =	simm.s32 $0xA;
	s4 =	simm.s32 $0x10  }
0xa: {  	[smem:s4], [sflag:s16] =	dma.local [hbm:s2], $0x1  }
0xb: {  	_ =	swait.eq [sflag:s16], $0x1  }
0xc: {  	[sflag:s16] =	ssyncset.done $0x0  }
0xd: {  	[sflag:s16] =	ssyncadd.s32 $0xFFFFFFFF  }
0xe: {  	s17 =	sld [smem:$0x11];
	(tm) =	ssettm $0x1  }
0xf: {  	s18 =	sld [smem:$0x3FFB];
	_ =	sdelay $0x3  }
0x10: {  	_ =	strace s18  }
0x11: {  	s3 =	sld [smem:$0x3FFC];
	_ =	sdelay $0x3  }
0x12: {  	_ =	strace s3  }
0x13: {  	s3 =	sld [smem:$0x3FFD];
	_ =	sdelay $0x3  }
0x14: {  	_ =	strace s3  }
0x15: {  	_ =	strace $0x8FFFFFFF  }
0x16: {  	s19 =	sld [smem:$0x3FDB];
	_ =	sdelay $0x1  }
0x17: {  	s20 =	simm.s32 $_scs_section_size  }
0x18: {  	s5 =	simm.s32 $_size__tile_overlayer_lowered;
	s6 =	simm.s32 $_tile_overlayer_lowered  }
0x19: {  	s23 =	simm.s32 $0x1BFF;
	s22 =	sshll.u32 s6, $0x1;
	s3 =	sadd.s32 s20, s19  }
0x1a: {  	s7 =	simm.s32 $0x0;
	s21 =	sshll.u32 s5, $0x1;
	s5 =	sadd.s32 s22, s3  }
0x1b: {  	[timem:s7], [sflag:s23] =	dma.local [hbm:s5], s21  }
0x1c: {  	_ =	swait.ge [sflag:s23], s21  }
0x1d: {  	s4 =	ssub.s32 $0x0, s21;
	[sflag:s23] =	ssyncset.done $0x0  }
0x1e: {  	[sflag:s23] =	ssyncadd.s32 s4;
	_ =	sdelay $0x1  }
0x1f: {  	s24 =	simm.s32 $0x1B8B  }
0x20: {  	_ =	swait.ge [sflag:s24], $0x1  }
0x21: {  	[sflag:s24] =	ssyncset.done $0x0  }
0x22: {  	s26 =	simm.s32 $0x1B8E;
	s25 =	sld [smem:$0x3FFE];
	[sflag:s24] =	ssyncadd.s32 $0xFFFFFFFF  }
0x23: {  	s27 =	simm.s32 $execute0_lowered;
	[smem:$0x3FD2] =	sst s26  }
0x24: {  	s5 =	sshll.u32 s27, $0x1;
	_ =	strace $0x80000052;
	[dreg:$0x1] =	wrdreg $0xFFFFFFFF  }
0x25: {  	s28 =	simm.s32 $_size_execute0_lowered;
	s3 =	sadd.s32 s3, s5;
	[dreg:$0x0] =	wrdreg $0x0  }
0x26: {  	s5 =	sshll.u32 s28, $0x1;
	[dreg:$0x2] =	wrdreg s3  }
0x27: {  	[dreg:$0x3] =	wrdreg s5  }
0x28: {  	[dreg:$0x4] =	wrdreg $0xC0  }
0x29: {  	_ =	task [dreg:s7], $0x5FFFF  }
0x2a: {  	[dreg:$0x1] =	wrdreg $0xFFFFFFFF  }
0x2b: {  	[dreg:$0x0] =	wrdreg $0x60  }
0x2c: {  	[dreg:$0x2] =	wrdreg s17  }
0x2d: {  	[dreg:$0x3] =	wrdreg s25  }
0x2e: {  	[dreg:$0x4] =	wrdreg $0x9  }
0x2f: {  	_ =	task.clear_ibuf [dreg:s7], $0x5FFFF;
	_ =	strace $0x90000052  }
0x30: {  	s29 =	simm.s32 $0x9;
	_ =	strace $0x80000054  }
0x31: {  	_ =	swait.ge [sflag:s29], $0x1  }
0x32: {  	[sflag:s29] =	ssyncadd.s32 $0xFFFFFFFF  }
0x33: {  	_ =	strace $0x90000054  }
0x34: {  	_ =	sfence  }
0x35: {  	s30 =	sld [smem:$0x0];
	_ =	sdelay $0x2  }
0x36: {  	s31 =	sshll.u32 s1, $0xD;
	s1 =	sshrl.u32 s1, $0x2  }
0x37: {  	s3 =	sand.u32 $0x4000, s31;
	s1 =	sadd.s32 s1, s30  }
0x38: {  	s0 =	sor.u32 s3, s0;
	s1 =	sshll.u32 s1, $0x11  }
0x39: {  	s0 =	sor.u32 s1, s0  }
0x3a: {  	s0 =	sadd.s32 $0x8F2B, s0  }
0x3b: {  	[sflag:s0] =	ssyncadd.remote.s32 $0x1  }
0x3c: {  	_ =	sfence.sel $0xFFFF  }
0x3d: {  	[dreg:$0x0] =	wrdreg $0xFFFFFFFF;
	(pc) =	sbr.abs _section_cstart, $3  }
0x3e: {  	[dreg:$0x1] =	wrdreg $0xFFFFFFFF  }
0x3f: {  	_ =	task.clear_ibuf [dreg:s7], $0x2FFFF;
	_ =	strace $0x9FFFFFFF  }
0x40: {  	(tm) =	ssettm $0x7FFFFFFF  }
0x41: {  	_ =	shalt  }
tec
execute0_lowered:
.L_overlay_start_1:
0x0: {  	(tag) =	ssettag $0x1  }
0x1: {  	s2 =	rddreg [dreg:$0x0]  }
0x2: {  	s1 =	rddreg [dreg:$0x1]  }
0x3: {  	s0 =	rddreg [dreg:$0x2]  }
0x4: {  	_ =	strace $0x80000053;
	s4 =	srdreg.scid;
	s6 =	simm.s32 $0x2  }
0x5: {  	s12 =	simm.s32 $0x0;
	p0 =	por $0x0, $0x0;
	s13 =	simm.s32 $0x0  }
0x6: {  	s15 =	simm.s32 $0x0;
	s14 =	simm.s32 $0x0;
	s8 =	simm.s32 $0x0  }
.Ltmp0:
0x7: {  	s9 =	simm.s32 $0x0;
	s10 =	simm.s32 $0x0;
	(pc) =	sbr.rel .LBB1_1-.Ltmp0, $4  }
0x8: {  	s7 =	simm.s32 $0x0;
	s3 =	sadd.s32 $0x1200, s1;
	s5 =	sshll.u32 s4, $0x4  }
0x9: {  	s1 =	stileid.u32;
	s4 =	simm.s32 $0x1;
	s5 =	sand.u32 $0x10, s5  }
0xa: {  	s21 =	simm.s32 $0x0;
	[sflag:s4] =	ssyncpa.u1 $0x0;
	s5 =	sor.u32 s1, s5  }
0xb: {  	[sflag:s6] =	ssyncpa.u1 $0x0;
	s6 =	simm.s32 $0x8000;
	s11 =	smov.u32 s5  }
.LBB1_7:
0xc: {  	s16 =	sadd.s32 $0x100, s8  }
0xd: {  	s12 =	sadd.s32 $0x8, s9;
	s17 =	smov.u32 s9;
	p2 =	sgt.s32 s16, $0x3FF  }
0xe: {  	s17 =	smov.u32 @p2 s12  }
0xf: {  	s18 =	smov.u32 s10;
	s12 =	sadd.s32 $0x8, s10;
	p3 =	sgt.s32 s17, $0x7  }
0x10: {  	s18 =	smov.u32 @p3 s12  }
0x11: {  	s19 =	smov.u32 s11;
	s12 =	sadd.s32 $0x20, s11;
	p4 =	sgt.s32 s18, $0x1F  }
0x12: {  	p1 =	slt.u32 s7, $0x2;
	s19 =	smov.u32 @p4 s12  }
0x13: {  	s7 =	sadd.s32 $0x1, s7;
	s16 =	simm.s32 @p2 $0x0;
	p2 =	sgt.s32 s19, $0x3F  }
0x14: {  	s20 =	simm.s32 @!p1 $0x2;
	s19 =	smov.u32 @p2 s5;
	p2 =	sne.s32 s7, $0x22  }
.Ltmp1:
0x15: {  	s13 =	smov.u32 s9;
	_ =	swait.ge @!p1 [sflag:s20], $0x4000;
	(pc) =	sbr.rel @!p2 .LBB1_8-.Ltmp1, $4  }
0x16: {  	s15 =	smov.u32 s10;
	s14 =	smov.u32 s11;
	[sflag:s20] =	ssyncset.done @!p1 $0x0  }
0x17: {  	p0 =	por !p0, !p0;
	s17 =	simm.s32 @p3 $0x0;
	[sflag:s20] =	ssyncadd.s32 @!p1 $0xFFFFC000  }
0x18: {  	s9 =	smov.u32 s17;
	s18 =	simm.s32 @p4 $0x0;
	s12 =	smov.u32 s8  }
0x19: {  	s8 =	smov.u32 s16;
	s10 =	smov.u32 s18;
	s11 =	smov.u32 s19  }
.LBB1_1:
0x1a: {  	p1 =	sgt.u32 s7, $0x1F  }
0x1b: {  	s16 =	sxor.u32 @!p1 $0xFFFFFFFF, s7  }
0x1c: {  	s17 =	sshll.u32 @!p1 s9, $0x7;
	s18 =	sand.u32 @!p1 $0x78, s8;
	s19 =	sshll.u32 @!p1 s11, $0xF  }
0x1d: {  	s20 =	sand.u32 @!p1 $0x380, s8;
	s16 =	sshll.u32 @!p1 s16, $0xE;
	s17 =	sand.u32 @!p1 $0x380, s17  }
0x1e: {  	s19 =	sadd.s32 @!p1 s2, s19;
	s17 =	sor.u32 @!p1 s18, s17;
	s18 =	sshll.u32 @!p1 s10, $0xA  }
0x1f: {  	s16 =	sand.u32 @!p1 $0x4000, s16;
	s18 =	sadd.s32 @!p1 s18, s19;
	s19 =	sand.u32 @!p1 $0x7, s8  }
0x20: {  	s17 =	sshrl.u32 @!p1 s17, $0x3;
	s18 =	sadd.s32 @!p1 s20, s18;
	s19 =	sshll.u32 @!p1 s19, $0x12  }
0x21: {  	s17 =	sadd.s32 @!p1 s17, s18;
	s18 =	sor.u32 @!p1 $0x800, s19;
	s19 =	simm.s32 @!p1 $0x2000  }
0x22: {  	[tilespmem:s16], [sflag:$0x1] =	stream.strided.gather @!p1 [hbm4b:s17+s18], $0x4000, s19, s18, $0x38;
	[tilespmem:$0x10000] =	vst v63  }
0x23: {  	p1 =	seq.s32 s7, $0x0  }
0x24: {  	p2 =	seq.s32 @!p1 s7, $0x21  }
0x25: {  	p1 =	por p1, p2  }
.Ltmp2:
0x26: {  	_ = 	snop;
	(pc) =	sbr.rel @p1 .LBB1_7-.Ltmp2, $1  }
0x27: {  	_ =	sdelay $0x3  }
0x28: {  	s16 =	simm.s32 $0x1  }
0x29: {  	_ =	swait.ge [sflag:s4], $0x4000;
	s31 =	sshll.u32 s7, $0xE;
	p1 =	por $0x0, $0x0  }
0x2a: {  	s22 =	simm.s32 $0x0;
	s23 =	simm.s32 $0x0;
	s16 =	simm.s32 @!p0 $0x0  }
0x2b: {  	[sflag:s4] =	ssyncset.done $0x0;
	s19 =	sand.u32 $0x4000, s31;
	s16 =	sshll.u32 s16, $0x10  }
0x2c: {  	[sflag:s4] =	ssyncadd.s32 $0xFFFFC000;
	s20 =	sshrl.u32 s16, $0x2;
	s16 =	sor.u32 $0x8000, s19  }
0x2d: {  	s17 =	sor.u32 $0x40, s20;
	s18 =	sor.u32 $0x8410, s20;
	s20 =	sadd.s32 $0x8400, s20  }
.LBB1_3:
0x2e: {  	v1 =	vld [tilespmem:s17+$0xFFFFFFD0]  }
0x2f: {  	v2 =	vld [tilespmem:s17+$0x430]  }
0x30: {  	s24 =	sshll.u32 s23, $0xB;
	v4 =	vld [tilespmem:s17+$0xFFFFFFE0]  }
0x31: {  	v7 =	vld [tilespmem:s17+$0xFFFFFFF0];
	v0 =	vmov s24  }
0x32: {  	v8 =	vld [tilespmem:s17+$0x0]  }
0x33: {  	s30 =	sand.u32 $0x300, s21;
	v9 =	vld [tilespmem:s17+$0x10]  }
0x34: {  	s25 =	sand.u32 $0x80, s21;
	v10 =	vld [tilespmem:s17+$0x20];
	s24 =	sadd.s32 s30, s19  }
0x35: {  	v11 =	vld [tilespmem:s17+$0x30];
	s24 =	sadd.s32 s25, s24;
	s25 =	simm.s32 $0x1;
	[tilespmem:s18+$0x60] =	vst v2  }
0x36: {  	s31 =	sshll.u32 s22, $0x2;
	s25 =	simm.s32 @!p1 $0x0;
	[tilespmem:s18+$0xFFFFFC00] =	vst v1;
	v3 =	vld.idx.msk [tilespmem:v0+s24+$0x400 ss:$0x1], $0xffff  }
0x37: {  	v6 =	vld [tilespmem:s17+$0x3D0];
	s25 =	sshll.u32 s25, $0x9;
	[tilespmem:s18+$0xFFFFFC10] =	vst v4;
	s24 =	sand.u32 $0xFFFFFC00, s31  }
0x38: {  	v5 =	vld [tilespmem:s17+$0x3E0];
	[tilespmem:s18+$0xFFFFFC20] =	vst v7;
	s24 =	sor.u32 s25, s24  }
0x39: {  	[tilespmem:s18+$0xFFFFFC30] =	vst v8;
	v4 =	vld [tilespmem:s17+$0x400];
	s24 =	sshrl.u32 s24, $0x2  }
0x3a: {  	[tilespmem:s18+$0xFFFFFC40] =	vst v9;
	v1 =	vld [tilespmem:s17+$0x410];
	s24 =	sadd.s32 s24, s20  }
0x3b: {  	[tilespmem:s24+$0x0] =	vst v3;
	v3 =	vld [tilespmem:s17+$0x3F0]  }
0x3c: {  	s28 =	simm.s32 $0x80;
	s27 =	simm.s32 $0x100;
	[tilespmem:s18+$0xFFFFFC50] =	vst v10;
	v2 =	vld [tilespmem:s17+$0x420]  }
0x3d: {  	s26 =	smov.u32 s18;
	s29 =	sand.u32 $0x300, s28;
	v7 =	vld [tilespmem:s17+$0xFFFFFFC0];
	[tilespmem:s18+$0xFFFFFC60] =	vst v11;
	s25 =	sadd.s32 $0x80, s17  }
.LBB1_4:
0x3e: {  	p2 =	sne.s32 s27, $0x380;
	v8 =	vld [tilespmem:s25+$0xFFFFFFD0];
	s28 =	sand.u32 $0x80, s28;
	s29 =	sadd.s32 s29, s19;
	[tilespmem:s26+$0x0] =	vst v6  }
0x3f: {  	s29 =	sadd.s32 s28, s29;
	v6 =	vld [tilespmem:s25+$0x430];
	[tilespmem:s26+$0x10] =	vst v5;
	s28 =	smov.u32 s27  }
0x40: {  	v5 =	vld.idx.msk [tilespmem:v0+s29+$0x400 ss:$0x1], $0xffff;
	[tilespmem:s26+$0x20] =	vst v3  }
0x41: {  	v3 =	vld [tilespmem:s25+$0xFFFFFFE0];
	[tilespmem:s26+$0x30] =	vst v4  }
0x42: {  	v4 =	vld [tilespmem:s25+$0xFFFFFFF0];
	[tilespmem:s26+$0xFFFFFBF0] =	vst v7  }
0x43: {  	v7 =	vld [tilespmem:s25+$0x0];
	[tilespmem:s26+$0x40] =	vst v1  }
0x44: {  	v1 =	vld [tilespmem:s25+$0x10];
	[tilespmem:s26+$0x50] =	vst v2;
	s26 =	sadd.s32 $0x800, s26  }
0x45: {  	s24 =	sadd.s32 $0x800, s24;
	v2 =	vld [tilespmem:s25+$0x20];
	[tilespmem:s26+$0x60] =	vst v6  }
0x46: {  	v9 =	vld [tilespmem:s25+$0x30];
	[tilespmem:s24+$0x0] =	vst v5  }
0x47: {  	[tilespmem:s26+$0xFFFFFC00] =	vst v8;
	v6 =	vld [tilespmem:s25+$0x3D0]  }
0x48: {  	[tilespmem:s26+$0xFFFFFC10] =	vst v3;
	v5 =	vld [tilespmem:s25+$0x3E0]  }
.Ltmp3:
0x49: {  	[tilespmem:s26+$0xFFFFFC20] =	vst v4;
	v3 =	vld [tilespmem:s25+$0x3F0];
	(pc) =	sbr.rel @p2 .LBB1_4-.Ltmp3, $4  }
0x4a: {  	[tilespmem:s26+$0xFFFFFC30] =	vst v7;
	v4 =	vld [tilespmem:s25+$0x400]  }
0x4b: {  	[tilespmem:s26+$0xFFFFFC40] =	vst v1;
	v1 =	vld [tilespmem:s25+$0x410]  }
0x4c: {  	[tilespmem:s26+$0xFFFFFC50] =	vst v2;
	v2 =	vld [tilespmem:s25+$0x420]  }
0x4d: {  	s27 =	sadd.s32 $0x80, s27;
	s29 =	sand.u32 $0x300, s28;
	v7 =	vld [tilespmem:s25+$0xFFFFFFC0];
	[tilespmem:s26+$0xFFFFFC60] =	vst v9;
	s25 =	sadd.s32 $0x80, s25  }
0x4e: {  	[tilespmem:s26+$0x0] =	vst v6  }
0x4f: {  	[tilespmem:s26+$0x10] =	vst v5  }
0x50: {  	v49 =	vld [tilespmem:s25+$0x430];
	[tilespmem:s26+$0x20] =	vst v3  }
0x51: {  	v50 =	vld [tilespmem:s25+$0xFFFFFFD0];
	[tilespmem:s26+$0x30] =	vst v4  }
0x52: {  	v51 =	vld [tilespmem:s25+$0xFFFFFFE0];
	[tilespmem:s26+$0x40] =	vst v1  }
0x53: {  	v52 =	vld [tilespmem:s25+$0xFFFFFFF0];
	[tilespmem:s26+$0x50] =	vst v2  }
0x54: {  	s31 =	sadd.s32 $0x800, s26;
	v53 =	vld [tilespmem:s25+$0x0];
	[tilespmem:s26+$0xFFFFFBF0] =	vst v7  }
0x55: {  	v54 =	vld [tilespmem:s25+$0x10];
	[tilespmem:s31+$0x60] =	vst v49  }
0x56: {  	v55 =	vld [tilespmem:s25+$0x20];
	[tilespmem:s31+$0xFFFFFC00] =	vst v50  }
0x57: {  	v56 =	vld [tilespmem:s25+$0x30];
	[tilespmem:s31+$0xFFFFFC10] =	vst v51  }
0x58: {  	v57 =	vld [tilespmem:s25+$0x3D0];
	[tilespmem:s31+$0xFFFFFC20] =	vst v52  }
0x59: {  	v58 =	vld [tilespmem:s25+$0x3E0];
	[tilespmem:s31+$0xFFFFFC30] =	vst v53  }
0x5a: {  	v59 =	vld [tilespmem:s25+$0x3F0];
	[tilespmem:s31+$0xFFFFFC40] =	vst v54  }
0x5b: {  	v60 =	vld [tilespmem:s25+$0x400];
	[tilespmem:s31+$0xFFFFFC50] =	vst v55  }
0x5c: {  	v61 =	vld [tilespmem:s25+$0xFFFFFFC0];
	[tilespmem:s31+$0xFFFFFC60] =	vst v56  }
0x5d: {  	s27 =	sand.u32 $0x80, s28;
	s30 =	sadd.s32 s29, s19;
	v62 =	vld [tilespmem:s25+$0x410];
	[tilespmem:s31+$0x0] =	vst v57  }
0x5e: {  	v63 =	vld [tilespmem:s25+$0x420];
	s23 =	sadd.s32 $0x1, s23;
	s27 =	sadd.s32 s27, s30;
	[tilespmem:s31+$0x10] =	vst v58  }
0x5f: {  	p2 =	sne.s32 s23, $0x8;
	v0 =	vld.idx.msk [tilespmem:v0+s27+$0x400 ss:$0x1], $0xffff;
	[tilespmem:s31+$0x20] =	vst v59  }
.Ltmp4:
0x60: {  	[tilespmem:s31+$0x30] =	vst v60;
	(pc) =	sbr.rel @p2 .LBB1_3-.Ltmp4, $4  }
0x61: {  	[tilespmem:s31+$0xFFFFFBF0] =	vst v61  }
0x62: {  	[tilespmem:s31+$0x40] =	vst v62  }
0x63: {  	s24 =	sadd.s32 $0x800, s24;
	s17 =	sadd.s32 $0x800, s17;
	[tilespmem:s31+$0x50] =	vst v63  }
0x64: {  	s22 =	sadd.s32 $0x80, s22;
	p1 =	por !p1, !p1;
	s18 =	sadd.s32 $0x80, s18;
	[tilespmem:s24+$0x0] =	vst v0  }
0x65: {  	s15 =	sshll.u32 s15, $0x7  }
0x66: {  	s17 =	sand.u32 $0x78, s12;
	s14 =	sshll.u32 s14, $0xF;
	s13 =	sshll.u32 s13, $0xC  }
0x67: {  	s30 =	sand.u32 $0x7, s12;
	s18 =	sand.u32 $0x380, s15;
	s15 =	sand.u32 $0xC00, s15  }
.Ltmp5:
0x68: {  	s14 =	sadd.s32 s3, s14;
	s17 =	sor.u32 s18, s17;
	(pc) =	sbr.rel .LBB1_7-.Ltmp5, $4  }
0x69: {  	s15 =	sadd.s32 s12, s15;
	s13 =	sadd.s32 s13, s14;
	s17 =	sshrl.u32 s17, $0x3  }
0x6a: {  	s12 =	sshll.u32 s30, $0x12;
	s31 =	sand.u32 $0xF80, s15;
	s13 =	sadd.s32 s17, s13  }
0x6b: {  	s12 =	sor.u32 $0x800, s12;
	s13 =	sadd.s32 s31, s13  }
0x6c: {  	[hbm4b:s13+s12] =	stream.strided.scatter [tilespmem:s16], [sflag:$0x2], $0x4000, s6, s12, $0x38;
	[tilespmem:$0x10000] =	vst v63  }
.LBB1_8:
0x6d: {  	_ =	sfence.sel $0x180000  }
0x6e: {  	s2 =	simm.s32 $0x1;
	[bflag:$0x0] =	sbarrier.arrive $0xFFFF  }
0x6f: {  	s31 =	simm.s32 $0x2;
	[sflag:s2] =	ssyncpa.u1 $0x1  }
0x70: {  	[sflag:s31] =	ssyncpa.u1 $0x1  }
0x71: {  	p0 =	sne.s32 s1, $0x0;
	_ =	strace $0x90000053  }
0x72: {  	s0 =	sadd.s32 @!p0 $0x100000, s0;
	[bflag:$0x2] =	sbarrier.arrive $0xFFFF  }
0x73: {  	[sflag:s0] =	ssyncadd.tile.s32 @!p0 $0x1;
	_ =	shalt  }
.Lfunc_end1:
_tile_overlayer_lowered:
.L_overlay_start_2:
0x74: {  	(tag) =	ssettag $0x2  }
0x75: {  	s0 =	rddreg [dreg:$0x0];
	s2 =	stileid.u32  }
0x76: {  	s1 =	rddreg [dreg:$0x1];
	p0 =	sne.s32 s2, $0x0  }
0x77: {  	s3 =	rddreg [dreg:$0x2];
	[bflag:$0x3] =	sbarrier.arrive $0xFFFF;
	s2 =	simm.s32 @!p0 $0x1C01  }
0x78: {  	[timem:s3], [sflag:s2] =	dma.local @!p0 [hbm:s0], s1  }
0x79: {  	s0 =	simm.s32 @!p0 $0x1  }
0x7a: {  	_ =	swait.ge @!p0 [sflag:s0], s1  }
0x7b: {  	s1 =	ssub.s32 @!p0 $0x0, s1;
	[sflag:s0] =	ssyncset.done @!p0 $0x0  }
0x7c: {  	[sflag:s0] =	ssyncadd.s32 @!p0 s1  }
0x7d: {  	[bflag:$0x3] =	sbarrier.arrive $0xFFFF  }
0x7e: {  	_ =	shalt  }

// kernel: sparse-core-data-format-call.cloned.1.call-start
scs
called_computation_lowered:
.L_overlay_start_0:
0x0: {  	s2 =	sld [smem:$0x3FD9]  }
0x1: {  	s3 =	sld [smem:$0x3FFE];
	_ =	sdelay $0x1  }
0x2: {  	s1 =	srdreg.scid  }
0x3: {  	s0 =	sand.u32 $0x1, s1  }
0x4: {  	s15 =	sshll.u32 s0, $0xA;
	s2 =	sadd.s32 s3, s2  }
0x5: {  	s2 =	sadd.s32 s2, s15  }
0x6: {  	[smem:$0x3FC7] =	sst s2  }
0x7: {  	_ = 	snop  }
0x8: {  	s2 =	sld [smem:$0x3FD0];
	_ =	sdelay $0x2  }
0x9: {  	s16 =	simm.s32 $0xA;
	s4 =	simm.s32 $0x10  }
0xa: {  	[smem:s4], [sflag:s16] =	dma.local [hbm:s2], $0x1  }
0xb: {  	_ =	swait.eq [sflag:s16], $0x1  }
0xc: {  	[sflag:s16] =	ssyncset.done $0x0  }
0xd: {  	[sflag:s16] =	ssyncadd.s32 $0xFFFFFFFF  }
0xe: {  	s17 =	sld [smem:$0x11];
	(tm) =	ssettm $0x1  }
0xf: {  	s18 =	sld [smem:$0x3FFB];
	_ =	sdelay $0x3  }
0x10: {  	_ =	strace s18  }
0x11: {  	s3 =	sld [smem:$0x3FFC];
	_ =	sdelay $0x3  }
0x12: {  	_ =	strace s3  }
0x13: {  	s3 =	sld [smem:$0x3FFD];
	_ =	sdelay $0x3  }
0x14: {  	_ =	strace s3  }
0x15: {  	_ =	strace $0x8FFFFFFF  }
0x16: {  	s19 =	sld [smem:$0x3FDB];
	_ =	sdelay $0x1  }
0x17: {  	s20 =	simm.s32 $_scs_section_size  }
0x18: {  	s5 =	simm.s32 $_size__tile_overlayer_lowered;
	s6 =	simm.s32 $_tile_overlayer_lowered  }
0x19: {  	s23 =	simm.s32 $0x1BFF;
	s22 =	sshll.u32 s6, $0x1;
	s3 =	sadd.s32 s20, s19  }
0x1a: {  	s7 =	simm.s32 $0x0;
	s21 =	sshll.u32 s5, $0x1;
	s5 =	sadd.s32 s22, s3  }
0x1b: {  	[timem:s7], [sflag:s23] =	dma.local [hbm:s5], s21  }
0x1c: {  	_ =	swait.ge [sflag:s23], s21  }
0x1d: {  	s4 =	ssub.s32 $0x0, s21;
	[sflag:s23] =	ssyncset.done $0x0  }
0x1e: {  	[sflag:s23] =	ssyncadd.s32 s4;
	_ =	sdelay $0x1  }
0x1f: {  	s24 =	simm.s32 $0x1B8B  }
0x20: {  	_ =	swait.ge [sflag:s24], $0x1  }
0x21: {  	[sflag:s24] =	ssyncset.done $0x0  }
0x22: {  	s26 =	simm.s32 $0x1B8E;
	s25 =	sld [smem:$0x3FFE];
	[sflag:s24] =	ssyncadd.s32 $0xFFFFFFFF  }
0x23: {  	s27 =	simm.s32 $execute0_lowered;
	[smem:$0x3FD2] =	sst s26  }
0x24: {  	s5 =	sshll.u32 s27, $0x1;
	_ =	strace $0x80000055;
	[dreg:$0x1] =	wrdreg $0xFFFFFFFF  }
0x25: {  	s28 =	simm.s32 $_size_execute0_lowered;
	s3 =	sadd.s32 s3, s5;
	[dreg:$0x0] =	wrdreg $0x0  }
0x26: {  	s5 =	sshll.u32 s28, $0x1;
	[dreg:$0x2] =	wrdreg s3  }
0x27: {  	[dreg:$0x3] =	wrdreg s5  }
0x28: {  	[dreg:$0x4] =	wrdreg $0xC0  }
0x29: {  	_ =	task [dreg:s7], $0x5FFFF  }
0x2a: {  	[dreg:$0x1] =	wrdreg $0xFFFFFFFF  }
0x2b: {  	[dreg:$0x0] =	wrdreg $0x60  }
0x2c: {  	[dreg:$0x2] =	wrdreg s25  }
0x2d: {  	[dreg:$0x3] =	wrdreg s17  }
0x2e: {  	[dreg:$0x4] =	wrdreg $0x9  }
0x2f: {  	_ =	task.clear_ibuf [dreg:s7], $0x5FFFF;
	_ =	strace $0x90000055  }
0x30: {  	s29 =	simm.s32 $0x9;
	_ =	strace $0x80000057  }
0x31: {  	_ =	swait.ge [sflag:s29], $0x1  }
0x32: {  	[sflag:s29] =	ssyncadd.s32 $0xFFFFFFFF  }
0x33: {  	_ =	strace $0x90000057  }
0x34: {  	_ =	sfence  }
0x35: {  	s30 =	sld [smem:$0x0];
	_ =	sdelay $0x2  }
0x36: {  	s31 =	sshll.u32 s1, $0xD;
	s1 =	sshrl.u32 s1, $0x2  }
0x37: {  	s3 =	sand.u32 $0x4000, s31;
	s1 =	sadd.s32 s1, s30  }
0x38: {  	s0 =	sor.u32 s3, s0;
	s1 =	sshll.u32 s1, $0x11  }
0x39: {  	s0 =	sor.u32 s1, s0  }
0x3a: {  	s0 =	sadd.s32 $0x8F2B, s0  }
0x3b: {  	[sflag:s0] =	ssyncadd.remote.s32 $0x1  }
0x3c: {  	_ =	sfence.sel $0xFFFF  }
0x3d: {  	[dreg:$0x0] =	wrdreg $0xFFFFFFFF;
	(pc) =	sbr.abs _section_cstart, $3  }
0x3e: {  	[dreg:$0x1] =	wrdreg $0xFFFFFFFF  }
0x3f: {  	_ =	task.clear_ibuf [dreg:s7], $0x2FFFF;
	_ =	strace $0x9FFFFFFF  }
0x40: {  	(tm) =	ssettm $0x7FFFFFFF  }
0x41: {  	_ =	shalt  }
tec
execute0_lowered:
.L_overlay_start_1:
0x0: {  	(tag) =	ssettag $0x1  }
0x1: {  	s1 =	rddreg [dreg:$0x0]  }
0x2: {  	s2 =	rddreg [dreg:$0x1]  }
0x3: {  	s0 =	rddreg [dreg:$0x2];
	_ =	strace $0x80000056;
	s4 =	srdreg.scid  }
0x4: {  	s6 =	simm.s32 $0x2;
	s12 =	simm.s32 $0x0;
	p0 =	por $0x0, $0x0  }
0x5: {  	s13 =	simm.s32 $0x0;
	s15 =	simm.s32 $0x0;
	s14 =	simm.s32 $0x0  }
.Ltmp0:
0x6: {  	s8 =	simm.s32 $0x0;
	s9 =	simm.s32 $0x0;
	(pc) =	sbr.rel .LBB1_1-.Ltmp0, $4  }
0x7: {  	s10 =	simm.s32 $0x0;
	s3 =	sadd.s32 $0x1200, s1;
	s5 =	sshll.u32 s4, $0x4  }
0x8: {  	s1 =	stileid.u32;
	s4 =	simm.s32 $0x1;
	s5 =	sand.u32 $0x10, s5  }
0x9: {  	s7 =	simm.s32 $0x0;
	[sflag:s4] =	ssyncpa.u1 $0x0;
	s5 =	sor.u32 s1, s5  }
0xa: {  	[sflag:s6] =	ssyncpa.u1 $0x0;
	s6 =	simm.s32 $0x80000;
	s11 =	smov.u32 s5  }
.LBB1_7:
0xb: {  	s16 =	sadd.s32 $0x80, s8  }
0xc: {  	s12 =	sadd.s32 $0x20, s9;
	s17 =	smov.u32 s9;
	p2 =	sgt.s32 s16, $0x3FF  }
0xd: {  	s17 =	smov.u32 @p2 s12  }
0xe: {  	s18 =	smov.u32 s10;
	s12 =	sadd.s32 $0x4, s10;
	p3 =	sgt.s32 s17, $0x1F  }
0xf: {  	s18 =	smov.u32 @p3 s12  }
0x10: {  	s19 =	smov.u32 s11;
	s12 =	sadd.s32 $0x20, s11;
	p4 =	sgt.s32 s18, $0x7  }
0x11: {  	p1 =	slt.u32 s7, $0x2;
	s19 =	smov.u32 @p4 s12  }
0x12: {  	s7 =	sadd.s32 $0x1, s7;
	s16 =	simm.s32 @p2 $0x0;
	p2 =	sgt.s32 s19, $0x3F  }
0x13: {  	s20 =	simm.s32 @!p1 $0x2;
	s19 =	smov.u32 @p2 s5;
	p2 =	sne.s32 s7, $0x22  }
.Ltmp1:
0x14: {  	s13 =	smov.u32 s9;
	_ =	swait.ge @!p1 [sflag:s20], $0x4000;
	(pc) =	sbr.rel @!p2 .LBB1_8-.Ltmp1, $4  }
0x15: {  	s15 =	smov.u32 s10;
	s14 =	smov.u32 s11;
	[sflag:s20] =	ssyncset.done @!p1 $0x0  }
0x16: {  	p0 =	por !p0, !p0;
	s17 =	simm.s32 @p3 $0x0;
	[sflag:s20] =	ssyncadd.s32 @!p1 $0xFFFFC000  }
0x17: {  	s9 =	smov.u32 s17;
	s18 =	simm.s32 @p4 $0x0;
	s12 =	smov.u32 s8  }
0x18: {  	s8 =	smov.u32 s16;
	s10 =	smov.u32 s18;
	s11 =	smov.u32 s19  }
.LBB1_1:
0x19: {  	p1 =	sgt.u32 s7, $0x1F  }
0x1a: {  	s16 =	sxor.u32 @!p1 $0xFFFFFFFF, s7;
	s17 =	sshll.u32 @!p1 s9, $0x7;
	s18 =	sand.u32 @!p1 $0x78, s8  }
0x1b: {  	s20 =	sshll.u32 @!p1 s10, $0xC;
	s16 =	sshll.u32 @!p1 s16, $0xE;
	s19 =	sand.u32 @!p1 $0x380, s17  }
0x1c: {  	s17 =	sand.u32 @!p1 $0xC00, s17;
	s18 =	sor.u32 @!p1 s18, s19;
	s19 =	sshll.u32 @!p1 s11, $0xF  }
0x1d: {  	s16 =	sand.u32 @!p1 $0x4000, s16;
	s17 =	sadd.s32 @!p1 s8, s17;
	s19 =	sadd.s32 @!p1 s3, s19  }
0x1e: {  	s18 =	sshrl.u32 @!p1 s18, $0x3;
	s19 =	sadd.s32 @!p1 s20, s19;
	s20 =	sand.u32 @!p1 $0x7, s8  }
0x1f: {  	s17 =	sand.u32 @!p1 $0xF80, s17;
	s18 =	sadd.s32 @!p1 s18, s19;
	s19 =	sshll.u32 @!p1 s20, $0x12  }
0x20: {  	s17 =	sadd.s32 @!p1 s17, s18;
	s18 =	sor.u32 @!p1 $0x400, s19;
	s19 =	simm.s32 @!p1 $0x2000  }
0x21: {  	[tilespmem:s16], [sflag:$0x1] =	stream.strided.gather @!p1 [hbm4b:s17+s18], $0x4000, s19, s18, $0x38;
	[tilespmem:$0x10000] =	vst v63  }
0x22: {  	p1 =	seq.s32 s7, $0x0  }
0x23: {  	p2 =	seq.s32 @!p1 s7, $0x21  }
0x24: {  	p1 =	por p1, p2  }
.Ltmp2:
0x25: {  	_ = 	snop;
	(pc) =	sbr.rel @p1 .LBB1_7-.Ltmp2, $1  }
0x26: {  	_ =	sdelay $0x3  }
0x27: {  	s16 =	simm.s32 $0x1;
	_ =	swait.ge [sflag:s4], $0x4000;
	s19 =	sshll.u32 s7, $0xE  }
0x28: {  	s16 =	simm.s32 @!p0 $0x0;
	[sflag:s4] =	ssyncset.done $0x0;
	s31 =	sand.u32 $0x4000, s19  }
0x29: {  	s19 =	simm.s32 $0x0;
	s16 =	sshll.u32 s16, $0xE;
	[sflag:s4] =	ssyncadd.s32 $0xFFFFC000  }
0x2a: {  	s17 =	sor.u32 $0x8040, s16;
	s18 =	sor.u32 $0x40, s16;
	s16 =	sor.u32 $0x8000, s31  }
.LBB1_3:
0x2b: {  	v0 =	vmov s18;
	_ =	sdelay $0x3  }
0x2c: {  	s21 =	simm.s32 $0x0  }
0x2d: {  	v6 =	vld.idx.msk [tilespmem:v0+s21+$0x30 ss:$0x1], $0xffff  }
0x2e: {  	v7 =	vld.idx.msk [tilespmem:v0+s21+$0xFFFFFFC0 ss:$0x1], $0xffff  }
0x2f: {  	v5 =	vld.idx.msk [tilespmem:v0+s21+$0xFFFFFFD0 ss:$0x1], $0xffff  }
0x30: {  	v4 =	vld.idx.msk [tilespmem:v0+s21+$0xFFFFFFE0 ss:$0x1], $0xffff  }
0x31: {  	v3 =	vld.idx.msk [tilespmem:v0+s21+$0xFFFFFFF0 ss:$0x1], $0xffff  }
0x32: {  	v1 =	vld.idx.msk [tilespmem:v0+s21+$0x0 ss:$0x1], $0xffff  }
0x33: {  	v2 =	vld.idx.msk [tilespmem:v0+s21+$0x10 ss:$0x1], $0xffff;
	[tilespmem:s17+$0x30] =	vst v6  }
0x34: {  	s20 =	simm.s32 $0x80;
	s22 =	simm.s32 $0x400;
	[tilespmem:s17+$0xFFFFFFC0] =	vst v7;
	v6 =	vld.idx.msk [tilespmem:v0+s21+$0x20 ss:$0x1], $0xffff;
	s21 =	smov.u32 s17  }
.LBB1_4:
0x35: {  	p1 =	sne.s32 s22, $0x3E00;
	v7 =	vld.idx.msk [tilespmem:v0+s20+$0x30 ss:$0x1], $0xffff;
	[tilespmem:s21+$0xFFFFFFD0] =	vst v5  }
0x36: {  	v8 =	vld.idx.msk [tilespmem:v0+s20+$0xFFFFFFC0 ss:$0x1], $0xffff;
	[tilespmem:s21+$0xFFFFFFE0] =	vst v4  }
0x37: {  	v5 =	vld.idx.msk [tilespmem:v0+s20+$0xFFFFFFD0 ss:$0x1], $0xffff;
	[tilespmem:s21+$0xFFFFFFF0] =	vst v3  }
.Ltmp3:
0x38: {  	v4 =	vld.idx.msk [tilespmem:v0+s20+$0xFFFFFFE0 ss:$0x1], $0xffff;
	[tilespmem:s21+$0x0] =	vst v1;
	(pc) =	sbr.rel @p1 .LBB1_4-.Ltmp3, $4  }
0x39: {  	v3 =	vld.idx.msk [tilespmem:v0+s20+$0xFFFFFFF0 ss:$0x1], $0xffff;
	[tilespmem:s21+$0x10] =	vst v2  }
0x3a: {  	v1 =	vld.idx.msk [tilespmem:v0+s20+$0x0 ss:$0x1], $0xffff;
	[tilespmem:s21+$0x20] =	vst v6;
	s21 =	sadd.s32 $0x200, s21  }
0x3b: {  	v2 =	vld.idx.msk [tilespmem:v0+s20+$0x10 ss:$0x1], $0xffff;
	[tilespmem:s21+$0x30] =	vst v7  }
0x3c: {  	[tilespmem:s21+$0xFFFFFFC0] =	vst v8;
	v6 =	vld.idx.msk [tilespmem:v0+s20+$0x20 ss:$0x1], $0xffff;
	s20 =	sshra.s32 s22, $0x2;
	s22 =	sadd.s32 $0x200, s22  }
0x3d: {  	_ =	sdelay $0x2  }
0x3e: {  	[tilespmem:s21+$0xFFFFFFD0] =	vst v5  }
0x3f: {  	v56 =	vld.idx.msk [tilespmem:v0+s20+$0x30 ss:$0x1], $0xffff;
	[tilespmem:s21+$0xFFFFFFE0] =	vst v4  }
0x40: {  	v57 =	vld.idx.msk [tilespmem:v0+s20+$0xFFFFFFC0 ss:$0x1], $0xffff;
	[tilespmem:s21+$0xFFFFFFF0] =	vst v3  }
0x41: {  	v58 =	vld.idx.msk [tilespmem:v0+s20+$0xFFFFFFD0 ss:$0x1], $0xffff;
	[tilespmem:s21+$0x0] =	vst v1  }
0x42: {  	v59 =	vld.idx.msk [tilespmem:v0+s20+$0xFFFFFFE0 ss:$0x1], $0xffff;
	[tilespmem:s21+$0x10] =	vst v2  }
0x43: {  	v60 =	vld.idx.msk [tilespmem:v0+s20+$0xFFFFFFF0 ss:$0x1], $0xffff;
	s31 =	sadd.s32 $0x200, s21;
	[tilespmem:s21+$0x20] =	vst v6  }
0x44: {  	v61 =	vld.idx.msk [tilespmem:v0+s20+$0x0 ss:$0x1], $0xffff;
	[tilespmem:s31+$0x30] =	vst v56  }
0x45: {  	v62 =	vld.idx.msk [tilespmem:v0+s20+$0x10 ss:$0x1], $0xffff;
	s19 =	sadd.s32 $0x1, s19;
	[tilespmem:s31+$0xFFFFFFC0] =	vst v57  }
0x46: {  	v63 =	vld.idx.msk [tilespmem:v0+s20+$0x20 ss:$0x1], $0xffff;
	p1 =	sne.s32 s19, $0x4;
	[tilespmem:s31+$0xFFFFFFD0] =	vst v58  }
.Ltmp4:
0x47: {  	[tilespmem:s31+$0xFFFFFFE0] =	vst v59;
	(pc) =	sbr.rel @p1 .LBB1_3-.Ltmp4, $4  }
0x48: {  	[tilespmem:s31+$0xFFFFFFF0] =	vst v60  }
0x49: {  	[tilespmem:s31+$0x0] =	vst v61  }
0x4a: {  	[tilespmem:s31+$0x10] =	vst v62  }
0x4b: {  	s17 =	sadd.s32 $0x80, s17;
	s18 =	sadd.s32 $0x1000, s18;
	[tilespmem:s31+$0x20] =	vst v63  }
0x4c: {  	s15 =	sshll.u32 s15, $0x7;
	s17 =	sand.u32 $0x78, s12  }
0x4d: {  	s14 =	sshll.u32 s14, $0xA;
	s13 =	sshll.u32 s13, $0x10;
	s29 =	sand.u32 $0x380, s12  }
.Ltmp5:
0x4e: {  	s15 =	sand.u32 $0x380, s15;
	s14 =	sadd.s32 s2, s14;
	(pc) =	sbr.rel .LBB1_7-.Ltmp5, $4  }
0x4f: {  	s30 =	sand.u32 $0x7, s12;
	s15 =	sor.u32 s15, s17;
	s13 =	sadd.s32 s13, s14  }
0x50: {  	s12 =	sshll.u32 s30, $0x12;
	s31 =	sshrl.u32 s15, $0x3;
	s13 =	sadd.s32 s29, s13  }
0x51: {  	s12 =	sor.u32 $0x200, s12;
	s13 =	sadd.s32 s31, s13  }
0x52: {  	[hbm4b:s13+s12] =	stream.strided.scatter [tilespmem:s16], [sflag:$0x2], $0x4000, s6, s12, $0x38;
	[tilespmem:$0x10000] =	vst v63  }
.LBB1_8:
0x53: {  	_ =	sfence.sel $0x180000  }
0x54: {  	s2 =	simm.s32 $0x1;
	[bflag:$0x0] =	sbarrier.arrive $0xFFFF  }
0x55: {  	s31 =	simm.s32 $0x2;
	[sflag:s2] =	ssyncpa.u1 $0x1  }
0x56: {  	[sflag:s31] =	ssyncpa.u1 $0x1  }
0x57: {  	p0 =	sne.s32 s1, $0x0;
	_ =	strace $0x90000056  }
0x58: {  	s0 =	sadd.s32 @!p0 $0x100000, s0;
	[bflag:$0x2] =	sbarrier.arrive $0xFFFF  }
0x59: {  	[sflag:s0] =	ssyncadd.tile.s32 @!p0 $0x1;
	_ =	shalt  }
.Lfunc_end1:
_tile_overlayer_lowered:
.L_overlay_start_2:
0x5a: {  	(tag) =	ssettag $0x2  }
0x5b: {  	s0 =	rddreg [dreg:$0x0];
	s2 =	stileid.u32  }
0x5c: {  	s1 =	rddreg [dreg:$0x1];
	p0 =	sne.s32 s2, $0x0  }
0x5d: {  	s3 =	rddreg [dreg:$0x2];
	[bflag:$0x3] =	sbarrier.arrive $0xFFFF;
	s2 =	simm.s32 @!p0 $0x1C01  }
0x5e: {  	[timem:s3], [sflag:s2] =	dma.local @!p0 [hbm:s0], s1  }
0x5f: {  	s0 =	simm.s32 @!p0 $0x1  }
0x60: {  	_ =	swait.ge @!p0 [sflag:s0], s1  }
0x61: {  	s1 =	ssub.s32 @!p0 $0x0, s1;
	[sflag:s0] =	ssyncset.done @!p0 $0x0  }
0x62: {  	[sflag:s0] =	ssyncadd.s32 @!p0 s1  }
0x63: {  	[bflag:$0x3] =	sbarrier.arrive $0xFFFF  }
0x64: {  	_ =	shalt  }

</sc_bundles>
